<compile_context>
chip_gen: v7x
topology: tpu7x:2x2x1
jax: 0.10.2.dev20260603
libtpu: 0.0.44.dev20260713+nightly
codegen_flags: <defaults>
</compile_context>

<pallas_src>
import functools

import jax
import jax.numpy as jnp
from jax import lax
from jax.experimental import pallas as pl
from jax.experimental.pallas import tpu as pltpu
from jax.experimental.pallas import tpu_sc as plsc

_B, _L = 1024, 200
_D = 100
_DP = 128
_N = _B * _L
_INFO = plsc.get_sparse_core_info()
_NC, _NS = _INFO.num_cores, _INFO.num_subcores
_NW = _NC * _NS
_PER_W = _N // _NW
_G = 128

_mesh = plsc.VectorSubcoreMesh(core_axis_name="c", subcore_axis_name="s")


def _make_gather(n_tables, chunk):
    nsub = chunk // _G
    nchunk = _PER_W // chunk
    assert chunk % _G == 0 and _PER_W % chunk == 0

    out_type = tuple(
        jax.ShapeDtypeStruct((_N, _DP), jnp.float32) for _ in range(n_tables))
    scratch = [
        pltpu.VMEM((_PER_W,), jnp.int32),
        pltpu.VMEM((chunk, _DP), jnp.float32),
        pltpu.SemaphoreType.DMA,
    ]

    @functools.partial(
        pl.kernel, mesh=_mesh, out_type=out_type, scratch_types=scratch)
    def gather(*refs):
        idx_hbm = refs[:n_tables]
        tabs = refs[n_tables:2 * n_tables]
        outs = refs[2 * n_tables:3 * n_tables]
        idx_v, buf, sem = refs[3 * n_tables:]

        wid = lax.axis_index("s") * _NC + lax.axis_index("c")
        wbase = wid * _PER_W

        for t in range(n_tables):
            pltpu.sync_copy(idx_hbm[t].at[pl.ds(wbase, _PER_W)], idx_v)

            def body(k, carry, t=t):
                base = wbase + k * chunk
                copies = []
                for j in range(nsub):
                    s = pl.ds(j * _G, _G)
                    copies.append(pltpu.async_copy(
                        tabs[t].at[idx_v.at[pl.ds(k * chunk + j * _G, _G)]],
                        buf.at[s], sem))
                for c in copies:
                    c.wait()
                pltpu.sync_copy(buf, outs[t].at[pl.ds(base, chunk)])
                return carry

            lax.fori_loop(0, nchunk, body, 0)

    return gather


_gather2 = _make_gather(2, 640)
_gather1w = _make_gather(1, 640)


def _pad128_mxu(table):
    eye = jnp.eye(_D, _DP, dtype=jnp.float32)
    return lax.dot_general(
        table, eye, (((1,), (0,)), ((), ())),
        precision=lax.Precision.HIGHEST,
        preferred_element_type=jnp.float32,
    )


def kernel(words, tags, lemmas, word_table, tag_table, lemma_table):
    ot, ol = _gather2(
        tags.reshape(-1), lemmas.reshape(-1),
        _pad128_mxu(tag_table), _pad128_mxu(lemma_table),
    )
    ow, = _gather1w(words.reshape(-1), _pad128_mxu(word_table))
    embed = jnp.concatenate([ow[:, :_D], ot[:, :_D], ol[:, :_D]], axis=-1)
    return embed.reshape(_B, _L, 3 * _D)

# --- scband reference (transcript-rebuilt; emitter-appended) ---
"""Pipeline reference for scband-model-1726576854972 (READ-ONLY COPY).

The authoritative reference and input builder live on the scoring server;
editing this copy changes nothing except your own understanding.
"""

import jax, jax.numpy as jnp
import numpy as np

N_WORDS = 1000000
N_TAGS = 1000
N_LEMMAS = 100000
N_EMBED = 100
N_FEAT_EMBED = 100
B, L = 1024, 200


def setup_inputs(seed: int = 0) -> dict:
    key = jax.random.key(seed)
    k1, k2, k3, k4, k5, k6 = jax.random.split(key, 6)
    words = jax.random.randint(k1, (B, L), 0, N_WORDS, dtype=jnp.int32)
    tags = jax.random.randint(k2, (B, L), 0, N_TAGS, dtype=jnp.int32)
    lemmas = jax.random.randint(k3, (B, L), 0, N_LEMMAS, dtype=jnp.int32)
    word_table = jax.random.normal(k4, (N_WORDS, N_EMBED), dtype=jnp.float32) * 0.02
    tag_table = jax.random.normal(k5, (N_TAGS, N_FEAT_EMBED), dtype=jnp.float32) * 0.02
    lemma_table = jax.random.normal(k6, (N_LEMMAS, N_FEAT_EMBED), dtype=jnp.float32) * 0.02
    return {
        "words": words,
        "tags": tags,
        "lemmas": lemmas,
        "word_table": word_table,
        "tag_table": tag_table,
        "lemma_table": lemma_table,
    }


def reference(words, tags, lemmas, word_table, tag_table, lemma_table):
    # Model.embed with feat=['tag','lemma'], no pretrained embeddings,
    # IndependentDropout in eval mode (identity).
    word_embed = jnp.take(word_table, words, axis=0)          # [B, L, 100]
    tag_embed = jnp.take(tag_table, tags, axis=0)             # [B, L, 100]
    lemma_embed = jnp.take(lemma_table, lemmas, axis=0)       # [B, L, 100]
    feat_embed = jnp.concatenate([tag_embed, lemma_embed], axis=-1)
    embed = jnp.concatenate([word_embed, feat_embed], axis=-1)  # [B, L, 300]
    return embed

if __name__ == "__main__":
    import jax
    _d = setup_inputs()
    print(jax.jit(kernel)(*tuple(_d.values())))

</pallas_src>

<mosaic_0001>
#map = affine_map<(d0, d1) -> (0)>
#map1 = affine_map<(d0, d1) -> (0, 0)>
module attributes {stable_mosaic.version = 14 : i64} {
  func.func @gather(%arg0: i32, %arg1: i32, %arg2: memref<204800xi32, #tpu.memory_space<hbm>>, %arg3: memref<204800xi32, #tpu.memory_space<hbm>>, %arg4: memref<1000x128xf32, #tpu.memory_space<hbm>>, %arg5: memref<100000x128xf32, #tpu.memory_space<hbm>>, %arg6: memref<204800x128xf32, #tpu.memory_space<hbm>>, %arg7: memref<204800x128xf32, #tpu.memory_space<hbm>>, %arg8: memref<6400xi32, #tpu.memory_space<vmem>>, %arg9: memref<640x128xf32, #tpu.memory_space<vmem>>, %arg10: memref<!tpu.dma_semaphore, #tpu.memory_space<semaphore_mem>>) attributes {dimension_semantics = [#tpu.dimension_semantics<core_parallel>, #tpu.dimension_semantics<subcore_parallel>], iteration_bounds = array<i64: 2, 16>, scalar_prefetch = 0 : i64, scratch_operands = 3 : i64, tpu.core_type = #tpu.core_type<sc_vector_subcore>, window_params = [{transform_indices = #map}, {transform_indices = #map}, {transform_indices = #map1}, {transform_indices = #map1}, {transform_indices = #map1}, {transform_indices = #map1}]} {
    %mul3A = arith.constant 2 : i32
    %mul3A_0 = arith.muli %arg1, %mul3A : i32
    %add3A = arith.addi %mul3A_0, %arg0 : i32
    %mul3A_1 = arith.constant 6400 : i32
    %mul3A_2 = arith.muli %add3A, %mul3A_1 : i32
    "tpu.region"() ({
      %run_scoped3A = tpu.sem_alloc : memref<!tpu.dma_semaphore, #tpu.memory_space<semaphore_mem>>
      %dma_start3A = tpu.memref_slice %arg2[%mul3A_2] : memref<204800xi32, #tpu.memory_space<hbm>> -> memref<6400xi32, #tpu.memory_space<hbm>>
      %dma_start3A_14 = tpu.memref_slice %arg2[%mul3A_2] : memref<204800xi32, #tpu.memory_space<hbm>> -> memref<6400xi32, #tpu.memory_space<hbm>>
      tpu.enqueue_dma source(%dma_start3A_14 : memref<6400xi32, #tpu.memory_space<hbm>>) target(%arg8 : memref<6400xi32, #tpu.memory_space<vmem>>) target_semaphore(%run_scoped3A : memref<!tpu.dma_semaphore, #tpu.memory_space<semaphore_mem>>)
      %dma_wait3A = tpu.memref_slice %arg2[%mul3A_2] : memref<204800xi32, #tpu.memory_space<hbm>> -> memref<6400xi32, #tpu.memory_space<hbm>>
      %dma_wait3A_15 = tpu.memref_slice %arg2[%mul3A_2] : memref<204800xi32, #tpu.memory_space<hbm>> -> memref<6400xi32, #tpu.memory_space<hbm>>
      tpu.wait_dma2 semaphore(%run_scoped3A : memref<!tpu.dma_semaphore, #tpu.memory_space<semaphore_mem>>) src(%dma_wait3A_15 : memref<6400xi32, #tpu.memory_space<hbm>>) dst(%arg8 : memref<6400xi32, #tpu.memory_space<vmem>>)
      tpu.yield
    }) : () -> ()
    %scan3A = arith.constant 0 : i32
    %scan3A_3 = arith.constant 0 : i32
    %scan3A_4 = arith.constant 10 : i32
    %scan3A_5 = arith.addi %scan3A_3, %scan3A_4 : i32
    %scan3A_6 = arith.constant 1 : i32
    scf.for %scan3A_14 = %scan3A_3 to %scan3A_5 step %scan3A_6  : i32 {
      %mul3A_15 = arith.constant 640 : i32
      %mul3A_16 = arith.muli %scan3A_14, %mul3A_15 : i32
      %add3A_17 = arith.addi %mul3A_2, %mul3A_16 : i32
      %mul3A_18 = arith.constant 640 : i32
      %mul3A_19 = arith.muli %scan3A_14, %mul3A_18 : i32
      %add3A_20 = arith.constant 0 : i32
      %add3A_21 = arith.addi %mul3A_19, %add3A_20 : i32
      %dma_start3A = arith.constant 0 : i32
      %dma_start3A_22 = arith.constant 0 : i32
      %dma_start3A_23 = tpu.memref_slice %arg9[%dma_start3A, %dma_start3A_22] : memref<640x128xf32, #tpu.memory_space<vmem>> -> memref<128x128xf32, #tpu.memory_space<vmem>>
      %dma_start3A_24 = tpu.memref_slice %arg8[%add3A_21] : memref<6400xi32, #tpu.memory_space<vmem>> -> memref<128xi32, #tpu.memory_space<vmem>>
      %dma_start3A_25 = arith.constant 0 : i32
      %dma_start3A_26 = arith.constant 0 : i32
      %dma_start3A_27 = tpu.memref_slice %arg4[%dma_start3A_25, %dma_start3A_26] : memref<1000x128xf32, #tpu.memory_space<hbm>> -> memref<1000x128xf32, #tpu.memory_space<hbm>>
      tpu.enqueue_indirect_dma source(%dma_start3A_27 : memref<1000x128xf32, #tpu.memory_space<hbm>>) target(%dma_start3A_23 : memref<128x128xf32, #tpu.memory_space<vmem>>) offsets(%dma_start3A_24 : memref<128xi32, #tpu.memory_space<vmem>>) semaphore(%arg10 : memref<!tpu.dma_semaphore, #tpu.memory_space<semaphore_mem>>)
      %mul3A_28 = arith.constant 640 : i32
      %mul3A_29 = arith.muli %scan3A_14, %mul3A_28 : i32
      %add3A_30 = arith.constant 128 : i32
      %add3A_31 = arith.addi %mul3A_29, %add3A_30 : i32
      %dma_start3A_32 = arith.constant 128 : i32
      %dma_start3A_33 = arith.constant 0 : i32
      %dma_start3A_34 = tpu.memref_slice %arg9[%dma_start3A_32, %dma_start3A_33] : memref<640x128xf32, #tpu.memory_space<vmem>> -> memref<128x128xf32, #tpu.memory_space<vmem>>
      %dma_start3A_35 = tpu.memref_slice %arg8[%add3A_31] : memref<6400xi32, #tpu.memory_space<vmem>> -> memref<128xi32, #tpu.memory_space<vmem>>
      %dma_start3A_36 = arith.constant 0 : i32
      %dma_start3A_37 = arith.constant 0 : i32
      %dma_start3A_38 = tpu.memref_slice %arg4[%dma_start3A_36, %dma_start3A_37] : memref<1000x128xf32, #tpu.memory_space<hbm>> -> memref<1000x128xf32, #tpu.memory_space<hbm>>
      tpu.enqueue_indirect_dma source(%dma_start3A_38 : memref<1000x128xf32, #tpu.memory_space<hbm>>) target(%dma_start3A_34 : memref<128x128xf32, #tpu.memory_space<vmem>>) offsets(%dma_start3A_35 : memref<128xi32, #tpu.memory_space<vmem>>) semaphore(%arg10 : memref<!tpu.dma_semaphore, #tpu.memory_space<semaphore_mem>>)
      %mul3A_39 = arith.constant 640 : i32
      %mul3A_40 = arith.muli %scan3A_14, %mul3A_39 : i32
      %add3A_41 = arith.constant 256 : i32
      %add3A_42 = arith.addi %mul3A_40, %add3A_41 : i32
      %dma_start3A_43 = arith.constant 256 : i32
      %dma_start3A_44 = arith.constant 0 : i32
      %dma_start3A_45 = tpu.memref_slice %arg9[%dma_start3A_43, %dma_start3A_44] : memref<640x128xf32, #tpu.memory_space<vmem>> -> memref<128x128xf32, #tpu.memory_space<vmem>>
      %dma_start3A_46 = tpu.memref_slice %arg8[%add3A_42] : memref<6400xi32, #tpu.memory_space<vmem>> -> memref<128xi32, #tpu.memory_space<vmem>>
      %dma_start3A_47 = arith.constant 0 : i32
      %dma_start3A_48 = arith.constant 0 : i32
      %dma_start3A_49 = tpu.memref_slice %arg4[%dma_start3A_47, %dma_start3A_48] : memref<1000x128xf32, #tpu.memory_space<hbm>> -> memref<1000x128xf32, #tpu.memory_space<hbm>>
      tpu.enqueue_indirect_dma source(%dma_start3A_49 : memref<1000x128xf32, #tpu.memory_space<hbm>>) target(%dma_start3A_45 : memref<128x128xf32, #tpu.memory_space<vmem>>) offsets(%dma_start3A_46 : memref<128xi32, #tpu.memory_space<vmem>>) semaphore(%arg10 : memref<!tpu.dma_semaphore, #tpu.memory_space<semaphore_mem>>)
      %mul3A_50 = arith.constant 640 : i32
      %mul3A_51 = arith.muli %scan3A_14, %mul3A_50 : i32
      %add3A_52 = arith.constant 384 : i32
      %add3A_53 = arith.addi %mul3A_51, %add3A_52 : i32
      %dma_start3A_54 = arith.constant 384 : i32
      %dma_start3A_55 = arith.constant 0 : i32
      %dma_start3A_56 = tpu.memref_slice %arg9[%dma_start3A_54, %dma_start3A_55] : memref<640x128xf32, #tpu.memory_space<vmem>> -> memref<128x128xf32, #tpu.memory_space<vmem>>
      %dma_start3A_57 = tpu.memref_slice %arg8[%add3A_53] : memref<6400xi32, #tpu.memory_space<vmem>> -> memref<128xi32, #tpu.memory_space<vmem>>
      %dma_start3A_58 = arith.constant 0 : i32
      %dma_start3A_59 = arith.constant 0 : i32
      %dma_start3A_60 = tpu.memref_slice %arg4[%dma_start3A_58, %dma_start3A_59] : memref<1000x128xf32, #tpu.memory_space<hbm>> -> memref<1000x128xf32, #tpu.memory_space<hbm>>
      tpu.enqueue_indirect_dma source(%dma_start3A_60 : memref<1000x128xf32, #tpu.memory_space<hbm>>) target(%dma_start3A_56 : memref<128x128xf32, #tpu.memory_space<vmem>>) offsets(%dma_start3A_57 : memref<128xi32, #tpu.memory_space<vmem>>) semaphore(%arg10 : memref<!tpu.dma_semaphore, #tpu.memory_space<semaphore_mem>>)
      %mul3A_61 = arith.constant 640 : i32
      %mul3A_62 = arith.muli %scan3A_14, %mul3A_61 : i32
      %add3A_63 = arith.constant 512 : i32
      %add3A_64 = arith.addi %mul3A_62, %add3A_63 : i32
      %dma_start3A_65 = arith.constant 512 : i32
      %dma_start3A_66 = arith.constant 0 : i32
      %dma_start3A_67 = tpu.memref_slice %arg9[%dma_start3A_65, %dma_start3A_66] : memref<640x128xf32, #tpu.memory_space<vmem>> -> memref<128x128xf32, #tpu.memory_space<vmem>>
      %dma_start3A_68 = tpu.memref_slice %arg8[%add3A_64] : memref<6400xi32, #tpu.memory_space<vmem>> -> memref<128xi32, #tpu.memory_space<vmem>>
      %dma_start3A_69 = arith.constant 0 : i32
      %dma_start3A_70 = arith.constant 0 : i32
      %dma_start3A_71 = tpu.memref_slice %arg4[%dma_start3A_69, %dma_start3A_70] : memref<1000x128xf32, #tpu.memory_space<hbm>> -> memref<1000x128xf32, #tpu.memory_space<hbm>>
      tpu.enqueue_indirect_dma source(%dma_start3A_71 : memref<1000x128xf32, #tpu.memory_space<hbm>>) target(%dma_start3A_67 : memref<128x128xf32, #tpu.memory_space<vmem>>) offsets(%dma_start3A_68 : memref<128xi32, #tpu.memory_space<vmem>>) semaphore(%arg10 : memref<!tpu.dma_semaphore, #tpu.memory_space<semaphore_mem>>)
      %dma_wait3A = arith.constant 0 : i32
      %dma_wait3A_72 = arith.constant 0 : i32
      %dma_wait3A_73 = tpu.memref_slice %arg9[%dma_wait3A, %dma_wait3A_72] : memref<640x128xf32, #tpu.memory_space<vmem>> -> memref<128x128xf32, #tpu.memory_space<vmem>>
      %dma_wait3A_74 = tpu.memref_slice %arg8[%add3A_21] : memref<6400xi32, #tpu.memory_space<vmem>> -> memref<128xi32, #tpu.memory_space<vmem>>
      %dma_wait3A_75 = arith.constant 0 : i32
      %dma_wait3A_76 = arith.constant 0 : i32
      %dma_wait3A_77 = tpu.memref_slice %arg4[%dma_wait3A_75, %dma_wait3A_76] : memref<1000x128xf32, #tpu.memory_space<hbm>> -> memref<1000x128xf32, #tpu.memory_space<hbm>>
      tpu.wait_indirect_dma semaphore(%arg10 : memref<!tpu.dma_semaphore, #tpu.memory_space<semaphore_mem>>) src(%dma_wait3A_77 : memref<1000x128xf32, #tpu.memory_space<hbm>>) dst(%dma_wait3A_73 : memref<128x128xf32, #tpu.memory_space<vmem>>)
      %dma_wait3A_78 = arith.constant 128 : i32
      %dma_wait3A_79 = arith.constant 0 : i32
      %dma_wait3A_80 = tpu.memref_slice %arg9[%dma_wait3A_78, %dma_wait3A_79] : memref<640x128xf32, #tpu.memory_space<vmem>> -> memref<128x128xf32, #tpu.memory_space<vmem>>
      %dma_wait3A_81 = tpu.memref_slice %arg8[%add3A_31] : memref<6400xi32, #tpu.memory_space<vmem>> -> memref<128xi32, #tpu.memory_space<vmem>>
      %dma_wait3A_82 = arith.constant 0 : i32
      %dma_wait3A_83 = arith.constant 0 : i32
      %dma_wait3A_84 = tpu.memref_slice %arg4[%dma_wait3A_82, %dma_wait3A_83] : memref<1000x128xf32, #tpu.memory_space<hbm>> -> memref<1000x128xf32, #tpu.memory_space<hbm>>
      tpu.wait_indirect_dma semaphore(%arg10 : memref<!tpu.dma_semaphore, #tpu.memory_space<semaphore_mem>>) src(%dma_wait3A_84 : memref<1000x128xf32, #tpu.memory_space<hbm>>) dst(%dma_wait3A_80 : memref<128x128xf32, #tpu.memory_space<vmem>>)
      %dma_wait3A_85 = arith.constant 256 : i32
      %dma_wait3A_86 = arith.constant 0 : i32
      %dma_wait3A_87 = tpu.memref_slice %arg9[%dma_wait3A_85, %dma_wait3A_86] : memref<640x128xf32, #tpu.memory_space<vmem>> -> memref<128x128xf32, #tpu.memory_space<vmem>>
      %dma_wait3A_88 = tpu.memref_slice %arg8[%add3A_42] : memref<6400xi32, #tpu.memory_space<vmem>> -> memref<128xi32, #tpu.memory_space<vmem>>
      %dma_wait3A_89 = arith.constant 0 : i32
      %dma_wait3A_90 = arith.constant 0 : i32
      %dma_wait3A_91 = tpu.memref_slice %arg4[%dma_wait3A_89, %dma_wait3A_90] : memref<1000x128xf32, #tpu.memory_space<hbm>> -> memref<1000x128xf32, #tpu.memory_space<hbm>>
      tpu.wait_indirect_dma semaphore(%arg10 : memref<!tpu.dma_semaphore, #tpu.memory_space<semaphore_mem>>) src(%dma_wait3A_91 : memref<1000x128xf32, #tpu.memory_space<hbm>>) dst(%dma_wait3A_87 : memref<128x128xf32, #tpu.memory_space<vmem>>)
      %dma_wait3A_92 = arith.constant 384 : i32
      %dma_wait3A_93 = arith.constant 0 : i32
      %dma_wait3A_94 = tpu.memref_slice %arg9[%dma_wait3A_92, %dma_wait3A_93] : memref<640x128xf32, #tpu.memory_space<vmem>> -> memref<128x128xf32, #tpu.memory_space<vmem>>
      %dma_wait3A_95 = tpu.memref_slice %arg8[%add3A_53] : memref<6400xi32, #tpu.memory_space<vmem>> -> memref<128xi32, #tpu.memory_space<vmem>>
      %dma_wait3A_96 = arith.constant 0 : i32
      %dma_wait3A_97 = arith.constant 0 : i32
      %dma_wait3A_98 = tpu.memref_slice %arg4[%dma_wait3A_96, %dma_wait3A_97] : memref<1000x128xf32, #tpu.memory_space<hbm>> -> memref<1000x128xf32, #tpu.memory_space<hbm>>
      tpu.wait_indirect_dma semaphore(%arg10 : memref<!tpu.dma_semaphore, #tpu.memory_space<semaphore_mem>>) src(%dma_wait3A_98 : memref<1000x128xf32, #tpu.memory_space<hbm>>) dst(%dma_wait3A_94 : memref<128x128xf32, #tpu.memory_space<vmem>>)
      %dma_wait3A_99 = arith.constant 512 : i32
      %dma_wait3A_100 = arith.constant 0 : i32
      %dma_wait3A_101 = tpu.memref_slice %arg9[%dma_wait3A_99, %dma_wait3A_100] : memref<640x128xf32, #tpu.memory_space<vmem>> -> memref<128x128xf32, #tpu.memory_space<vmem>>
      %dma_wait3A_102 = tpu.memref_slice %arg8[%add3A_64] : memref<6400xi32, #tpu.memory_space<vmem>> -> memref<128xi32, #tpu.memory_space<vmem>>
      %dma_wait3A_103 = arith.constant 0 : i32
      %dma_wait3A_104 = arith.constant 0 : i32
      %dma_wait3A_105 = tpu.memref_slice %arg4[%dma_wait3A_103, %dma_wait3A_104] : memref<1000x128xf32, #tpu.memory_space<hbm>> -> memref<1000x128xf32, #tpu.memory_space<hbm>>
      tpu.wait_indirect_dma semaphore(%arg10 : memref<!tpu.dma_semaphore, #tpu.memory_space<semaphore_mem>>) src(%dma_wait3A_105 : memref<1000x128xf32, #tpu.memory_space<hbm>>) dst(%dma_wait3A_101 : memref<128x128xf32, #tpu.memory_space<vmem>>)
      "tpu.region"() ({
        %run_scoped3A = tpu.sem_alloc : memref<!tpu.dma_semaphore, #tpu.memory_space<semaphore_mem>>
        %dma_start3A_106 = arith.constant 0 : i32
        %dma_start3A_107 = tpu.memref_slice %arg6[%add3A_17, %dma_start3A_106] : memref<204800x128xf32, #tpu.memory_space<hbm>> -> memref<640x128xf32, #tpu.memory_space<hbm>>
        %dma_start3A_108 = arith.constant 0 : i32
        %dma_start3A_109 = tpu.memref_slice %arg6[%add3A_17, %dma_start3A_108] : memref<204800x128xf32, #tpu.memory_space<hbm>> -> memref<640x128xf32, #tpu.memory_space<hbm>>
        tpu.enqueue_dma source(%arg9 : memref<640x128xf32, #tpu.memory_space<vmem>>) target(%dma_start3A_109 : memref<640x128xf32, #tpu.memory_space<hbm>>) target_semaphore(%run_scoped3A : memref<!tpu.dma_semaphore, #tpu.memory_space<semaphore_mem>>)
        %dma_wait3A_110 = arith.constant 0 : i32
        %dma_wait3A_111 = tpu.memref_slice %arg6[%add3A_17, %dma_wait3A_110] : memref<204800x128xf32, #tpu.memory_space<hbm>> -> memref<640x128xf32, #tpu.memory_space<hbm>>
        %dma_wait3A_112 = arith.constant 0 : i32
        %dma_wait3A_113 = tpu.memref_slice %arg6[%add3A_17, %dma_wait3A_112] : memref<204800x128xf32, #tpu.memory_space<hbm>> -> memref<640x128xf32, #tpu.memory_space<hbm>>
        tpu.wait_dma2 semaphore(%run_scoped3A : memref<!tpu.dma_semaphore, #tpu.memory_space<semaphore_mem>>) src(%arg9 : memref<640x128xf32, #tpu.memory_space<vmem>>) dst(%dma_wait3A_113 : memref<640x128xf32, #tpu.memory_space<hbm>>)
        tpu.yield
      }) : () -> ()
    }
    %scan3A_7 = arith.constant 10 : i32
    "tpu.region"() ({
      %run_scoped3A = tpu.sem_alloc : memref<!tpu.dma_semaphore, #tpu.memory_space<semaphore_mem>>
      %dma_start3A = tpu.memref_slice %arg3[%mul3A_2] : memref<204800xi32, #tpu.memory_space<hbm>> -> memref<6400xi32, #tpu.memory_space<hbm>>
      %dma_start3A_14 = tpu.memref_slice %arg3[%mul3A_2] : memref<204800xi32, #tpu.memory_space<hbm>> -> memref<6400xi32, #tpu.memory_space<hbm>>
      tpu.enqueue_dma source(%dma_start3A_14 : memref<6400xi32, #tpu.memory_space<hbm>>) target(%arg8 : memref<6400xi32, #tpu.memory_space<vmem>>) target_semaphore(%run_scoped3A : memref<!tpu.dma_semaphore, #tpu.memory_space<semaphore_mem>>)
      %dma_wait3A = tpu.memref_slice %arg3[%mul3A_2] : memref<204800xi32, #tpu.memory_space<hbm>> -> memref<6400xi32, #tpu.memory_space<hbm>>
      %dma_wait3A_15 = tpu.memref_slice %arg3[%mul3A_2] : memref<204800xi32, #tpu.memory_space<hbm>> -> memref<6400xi32, #tpu.memory_space<hbm>>
      tpu.wait_dma2 semaphore(%run_scoped3A : memref<!tpu.dma_semaphore, #tpu.memory_space<semaphore_mem>>) src(%dma_wait3A_15 : memref<6400xi32, #tpu.memory_space<hbm>>) dst(%arg8 : memref<6400xi32, #tpu.memory_space<vmem>>)
      tpu.yield
    }) : () -> ()
    %scan3A_8 = arith.constant 0 : i32
    %scan3A_9 = arith.constant 0 : i32
    %scan3A_10 = arith.constant 10 : i32
    %scan3A_11 = arith.addi %scan3A_9, %scan3A_10 : i32
    %scan3A_12 = arith.constant 1 : i32
    scf.for %scan3A_14 = %scan3A_9 to %scan3A_11 step %scan3A_12  : i32 {
      %mul3A_15 = arith.constant 640 : i32
      %mul3A_16 = arith.muli %scan3A_14, %mul3A_15 : i32
      %add3A_17 = arith.addi %mul3A_2, %mul3A_16 : i32
      %mul3A_18 = arith.constant 640 : i32
      %mul3A_19 = arith.muli %scan3A_14, %mul3A_18 : i32
      %add3A_20 = arith.constant 0 : i32
      %add3A_21 = arith.addi %mul3A_19, %add3A_20 : i32
      %dma_start3A = arith.constant 0 : i32
      %dma_start3A_22 = arith.constant 0 : i32
      %dma_start3A_23 = tpu.memref_slice %arg9[%dma_start3A, %dma_start3A_22] : memref<640x128xf32, #tpu.memory_space<vmem>> -> memref<128x128xf32, #tpu.memory_space<vmem>>
      %dma_start3A_24 = tpu.memref_slice %arg8[%add3A_21] : memref<6400xi32, #tpu.memory_space<vmem>> -> memref<128xi32, #tpu.memory_space<vmem>>
      %dma_start3A_25 = arith.constant 0 : i32
      %dma_start3A_26 = arith.constant 0 : i32
      %dma_start3A_27 = tpu.memref_slice %arg5[%dma_start3A_25, %dma_start3A_26] : memref<100000x128xf32, #tpu.memory_space<hbm>> -> memref<100000x128xf32, #tpu.memory_space<hbm>>
      tpu.enqueue_indirect_dma source(%dma_start3A_27 : memref<100000x128xf32, #tpu.memory_space<hbm>>) target(%dma_start3A_23 : memref<128x128xf32, #tpu.memory_space<vmem>>) offsets(%dma_start3A_24 : memref<128xi32, #tpu.memory_space<vmem>>) semaphore(%arg10 : memref<!tpu.dma_semaphore, #tpu.memory_space<semaphore_mem>>)
      %mul3A_28 = arith.constant 640 : i32
      %mul3A_29 = arith.muli %scan3A_14, %mul3A_28 : i32
      %add3A_30 = arith.constant 128 : i32
      %add3A_31 = arith.addi %mul3A_29, %add3A_30 : i32
      %dma_start3A_32 = arith.constant 128 : i32
      %dma_start3A_33 = arith.constant 0 : i32
      %dma_start3A_34 = tpu.memref_slice %arg9[%dma_start3A_32, %dma_start3A_33] : memref<640x128xf32, #tpu.memory_space<vmem>> -> memref<128x128xf32, #tpu.memory_space<vmem>>
      %dma_start3A_35 = tpu.memref_slice %arg8[%add3A_31] : memref<6400xi32, #tpu.memory_space<vmem>> -> memref<128xi32, #tpu.memory_space<vmem>>
      %dma_start3A_36 = arith.constant 0 : i32
      %dma_start3A_37 = arith.constant 0 : i32
      %dma_start3A_38 = tpu.memref_slice %arg5[%dma_start3A_36, %dma_start3A_37] : memref<100000x128xf32, #tpu.memory_space<hbm>> -> memref<100000x128xf32, #tpu.memory_space<hbm>>
      tpu.enqueue_indirect_dma source(%dma_start3A_38 : memref<100000x128xf32, #tpu.memory_space<hbm>>) target(%dma_start3A_34 : memref<128x128xf32, #tpu.memory_space<vmem>>) offsets(%dma_start3A_35 : memref<128xi32, #tpu.memory_space<vmem>>) semaphore(%arg10 : memref<!tpu.dma_semaphore, #tpu.memory_space<semaphore_mem>>)
      %mul3A_39 = arith.constant 640 : i32
      %mul3A_40 = arith.muli %scan3A_14, %mul3A_39 : i32
      %add3A_41 = arith.constant 256 : i32
      %add3A_42 = arith.addi %mul3A_40, %add3A_41 : i32
      %dma_start3A_43 = arith.constant 256 : i32
      %dma_start3A_44 = arith.constant 0 : i32
      %dma_start3A_45 = tpu.memref_slice %arg9[%dma_start3A_43, %dma_start3A_44] : memref<640x128xf32, #tpu.memory_space<vmem>> -> memref<128x128xf32, #tpu.memory_space<vmem>>
      %dma_start3A_46 = tpu.memref_slice %arg8[%add3A_42] : memref<6400xi32, #tpu.memory_space<vmem>> -> memref<128xi32, #tpu.memory_space<vmem>>
      %dma_start3A_47 = arith.constant 0 : i32
      %dma_start3A_48 = arith.constant 0 : i32
      %dma_start3A_49 = tpu.memref_slice %arg5[%dma_start3A_47, %dma_start3A_48] : memref<100000x128xf32, #tpu.memory_space<hbm>> -> memref<100000x128xf32, #tpu.memory_space<hbm>>
      tpu.enqueue_indirect_dma source(%dma_start3A_49 : memref<100000x128xf32, #tpu.memory_space<hbm>>) target(%dma_start3A_45 : memref<128x128xf32, #tpu.memory_space<vmem>>) offsets(%dma_start3A_46 : memref<128xi32, #tpu.memory_space<vmem>>) semaphore(%arg10 : memref<!tpu.dma_semaphore, #tpu.memory_space<semaphore_mem>>)
      %mul3A_50 = arith.constant 640 : i32
      %mul3A_51 = arith.muli %scan3A_14, %mul3A_50 : i32
      %add3A_52 = arith.constant 384 : i32
      %add3A_53 = arith.addi %mul3A_51, %add3A_52 : i32
      %dma_start3A_54 = arith.constant 384 : i32
      %dma_start3A_55 = arith.constant 0 : i32
      %dma_start3A_56 = tpu.memref_slice %arg9[%dma_start3A_54, %dma_start3A_55] : memref<640x128xf32, #tpu.memory_space<vmem>> -> memref<128x128xf32, #tpu.memory_space<vmem>>
      %dma_start3A_57 = tpu.memref_slice %arg8[%add3A_53] : memref<6400xi32, #tpu.memory_space<vmem>> -> memref<128xi32, #tpu.memory_space<vmem>>
      %dma_start3A_58 = arith.constant 0 : i32
      %dma_start3A_59 = arith.constant 0 : i32
      %dma_start3A_60 = tpu.memref_slice %arg5[%dma_start3A_58, %dma_start3A_59] : memref<100000x128xf32, #tpu.memory_space<hbm>> -> memref<100000x128xf32, #tpu.memory_space<hbm>>
      tpu.enqueue_indirect_dma source(%dma_start3A_60 : memref<100000x128xf32, #tpu.memory_space<hbm>>) target(%dma_start3A_56 : memref<128x128xf32, #tpu.memory_space<vmem>>) offsets(%dma_start3A_57 : memref<128xi32, #tpu.memory_space<vmem>>) semaphore(%arg10 : memref<!tpu.dma_semaphore, #tpu.memory_space<semaphore_mem>>)
      %mul3A_61 = arith.constant 640 : i32
      %mul3A_62 = arith.muli %scan3A_14, %mul3A_61 : i32
      %add3A_63 = arith.constant 512 : i32
      %add3A_64 = arith.addi %mul3A_62, %add3A_63 : i32
      %dma_start3A_65 = arith.constant 512 : i32
      %dma_start3A_66 = arith.constant 0 : i32
      %dma_start3A_67 = tpu.memref_slice %arg9[%dma_start3A_65, %dma_start3A_66] : memref<640x128xf32, #tpu.memory_space<vmem>> -> memref<128x128xf32, #tpu.memory_space<vmem>>
      %dma_start3A_68 = tpu.memref_slice %arg8[%add3A_64] : memref<6400xi32, #tpu.memory_space<vmem>> -> memref<128xi32, #tpu.memory_space<vmem>>
      %dma_start3A_69 = arith.constant 0 : i32
      %dma_start3A_70 = arith.constant 0 : i32
      %dma_start3A_71 = tpu.memref_slice %arg5[%dma_start3A_69, %dma_start3A_70] : memref<100000x128xf32, #tpu.memory_space<hbm>> -> memref<100000x128xf32, #tpu.memory_space<hbm>>
      tpu.enqueue_indirect_dma source(%dma_start3A_71 : memref<100000x128xf32, #tpu.memory_space<hbm>>) target(%dma_start3A_67 : memref<128x128xf32, #tpu.memory_space<vmem>>) offsets(%dma_start3A_68 : memref<128xi32, #tpu.memory_space<vmem>>) semaphore(%arg10 : memref<!tpu.dma_semaphore, #tpu.memory_space<semaphore_mem>>)
      %dma_wait3A = arith.constant 0 : i32
      %dma_wait3A_72 = arith.constant 0 : i32
      %dma_wait3A_73 = tpu.memref_slice %arg9[%dma_wait3A, %dma_wait3A_72] : memref<640x128xf32, #tpu.memory_space<vmem>> -> memref<128x128xf32, #tpu.memory_space<vmem>>
      %dma_wait3A_74 = tpu.memref_slice %arg8[%add3A_21] : memref<6400xi32, #tpu.memory_space<vmem>> -> memref<128xi32, #tpu.memory_space<vmem>>
      %dma_wait3A_75 = arith.constant 0 : i32
      %dma_wait3A_76 = arith.constant 0 : i32
      %dma_wait3A_77 = tpu.memref_slice %arg5[%dma_wait3A_75, %dma_wait3A_76] : memref<100000x128xf32, #tpu.memory_space<hbm>> -> memref<100000x128xf32, #tpu.memory_space<hbm>>
      tpu.wait_indirect_dma semaphore(%arg10 : memref<!tpu.dma_semaphore, #tpu.memory_space<semaphore_mem>>) src(%dma_wait3A_77 : memref<100000x128xf32, #tpu.memory_space<hbm>>) dst(%dma_wait3A_73 : memref<128x128xf32, #tpu.memory_space<vmem>>)
      %dma_wait3A_78 = arith.constant 128 : i32
      %dma_wait3A_79 = arith.constant 0 : i32
      %dma_wait3A_80 = tpu.memref_slice %arg9[%dma_wait3A_78, %dma_wait3A_79] : memref<640x128xf32, #tpu.memory_space<vmem>> -> memref<128x128xf32, #tpu.memory_space<vmem>>
      %dma_wait3A_81 = tpu.memref_slice %arg8[%add3A_31] : memref<6400xi32, #tpu.memory_space<vmem>> -> memref<128xi32, #tpu.memory_space<vmem>>
      %dma_wait3A_82 = arith.constant 0 : i32
      %dma_wait3A_83 = arith.constant 0 : i32
      %dma_wait3A_84 = tpu.memref_slice %arg5[%dma_wait3A_82, %dma_wait3A_83] : memref<100000x128xf32, #tpu.memory_space<hbm>> -> memref<100000x128xf32, #tpu.memory_space<hbm>>
      tpu.wait_indirect_dma semaphore(%arg10 : memref<!tpu.dma_semaphore, #tpu.memory_space<semaphore_mem>>) src(%dma_wait3A_84 : memref<100000x128xf32, #tpu.memory_space<hbm>>) dst(%dma_wait3A_80 : memref<128x128xf32, #tpu.memory_space<vmem>>)
      %dma_wait3A_85 = arith.constant 256 : i32
      %dma_wait3A_86 = arith.constant 0 : i32
      %dma_wait3A_87 = tpu.memref_slice %arg9[%dma_wait3A_85, %dma_wait3A_86] : memref<640x128xf32, #tpu.memory_space<vmem>> -> memref<128x128xf32, #tpu.memory_space<vmem>>
      %dma_wait3A_88 = tpu.memref_slice %arg8[%add3A_42] : memref<6400xi32, #tpu.memory_space<vmem>> -> memref<128xi32, #tpu.memory_space<vmem>>
      %dma_wait3A_89 = arith.constant 0 : i32
      %dma_wait3A_90 = arith.constant 0 : i32
      %dma_wait3A_91 = tpu.memref_slice %arg5[%dma_wait3A_89, %dma_wait3A_90] : memref<100000x128xf32, #tpu.memory_space<hbm>> -> memref<100000x128xf32, #tpu.memory_space<hbm>>
      tpu.wait_indirect_dma semaphore(%arg10 : memref<!tpu.dma_semaphore, #tpu.memory_space<semaphore_mem>>) src(%dma_wait3A_91 : memref<100000x128xf32, #tpu.memory_space<hbm>>) dst(%dma_wait3A_87 : memref<128x128xf32, #tpu.memory_space<vmem>>)
      %dma_wait3A_92 = arith.constant 384 : i32
      %dma_wait3A_93 = arith.constant 0 : i32
      %dma_wait3A_94 = tpu.memref_slice %arg9[%dma_wait3A_92, %dma_wait3A_93] : memref<640x128xf32, #tpu.memory_space<vmem>> -> memref<128x128xf32, #tpu.memory_space<vmem>>
      %dma_wait3A_95 = tpu.memref_slice %arg8[%add3A_53] : memref<6400xi32, #tpu.memory_space<vmem>> -> memref<128xi32, #tpu.memory_space<vmem>>
      %dma_wait3A_96 = arith.constant 0 : i32
      %dma_wait3A_97 = arith.constant 0 : i32
      %dma_wait3A_98 = tpu.memref_slice %arg5[%dma_wait3A_96, %dma_wait3A_97] : memref<100000x128xf32, #tpu.memory_space<hbm>> -> memref<100000x128xf32, #tpu.memory_space<hbm>>
      tpu.wait_indirect_dma semaphore(%arg10 : memref<!tpu.dma_semaphore, #tpu.memory_space<semaphore_mem>>) src(%dma_wait3A_98 : memref<100000x128xf32, #tpu.memory_space<hbm>>) dst(%dma_wait3A_94 : memref<128x128xf32, #tpu.memory_space<vmem>>)
      %dma_wait3A_99 = arith.constant 512 : i32
      %dma_wait3A_100 = arith.constant 0 : i32
      %dma_wait3A_101 = tpu.memref_slice %arg9[%dma_wait3A_99, %dma_wait3A_100] : memref<640x128xf32, #tpu.memory_space<vmem>> -> memref<128x128xf32, #tpu.memory_space<vmem>>
      %dma_wait3A_102 = tpu.memref_slice %arg8[%add3A_64] : memref<6400xi32, #tpu.memory_space<vmem>> -> memref<128xi32, #tpu.memory_space<vmem>>
      %dma_wait3A_103 = arith.constant 0 : i32
      %dma_wait3A_104 = arith.constant 0 : i32
      %dma_wait3A_105 = tpu.memref_slice %arg5[%dma_wait3A_103, %dma_wait3A_104] : memref<100000x128xf32, #tpu.memory_space<hbm>> -> memref<100000x128xf32, #tpu.memory_space<hbm>>
      tpu.wait_indirect_dma semaphore(%arg10 : memref<!tpu.dma_semaphore, #tpu.memory_space<semaphore_mem>>) src(%dma_wait3A_105 : memref<100000x128xf32, #tpu.memory_space<hbm>>) dst(%dma_wait3A_101 : memref<128x128xf32, #tpu.memory_space<vmem>>)
      "tpu.region"() ({
        %run_scoped3A = tpu.sem_alloc : memref<!tpu.dma_semaphore, #tpu.memory_space<semaphore_mem>>
        %dma_start3A_106 = arith.constant 0 : i32
        %dma_start3A_107 = tpu.memref_slice %arg7[%add3A_17, %dma_start3A_106] : memref<204800x128xf32, #tpu.memory_space<hbm>> -> memref<640x128xf32, #tpu.memory_space<hbm>>
        %dma_start3A_108 = arith.constant 0 : i32
        %dma_start3A_109 = tpu.memref_slice %arg7[%add3A_17, %dma_start3A_108] : memref<204800x128xf32, #tpu.memory_space<hbm>> -> memref<640x128xf32, #tpu.memory_space<hbm>>
        tpu.enqueue_dma source(%arg9 : memref<640x128xf32, #tpu.memory_space<vmem>>) target(%dma_start3A_109 : memref<640x128xf32, #tpu.memory_space<hbm>>) target_semaphore(%run_scoped3A : memref<!tpu.dma_semaphore, #tpu.memory_space<semaphore_mem>>)
        %dma_wait3A_110 = arith.constant 0 : i32
        %dma_wait3A_111 = tpu.memref_slice %arg7[%add3A_17, %dma_wait3A_110] : memref<204800x128xf32, #tpu.memory_space<hbm>> -> memref<640x128xf32, #tpu.memory_space<hbm>>
        %dma_wait3A_112 = arith.constant 0 : i32
        %dma_wait3A_113 = tpu.memref_slice %arg7[%add3A_17, %dma_wait3A_112] : memref<204800x128xf32, #tpu.memory_space<hbm>> -> memref<640x128xf32, #tpu.memory_space<hbm>>
        tpu.wait_dma2 semaphore(%run_scoped3A : memref<!tpu.dma_semaphore, #tpu.memory_space<semaphore_mem>>) src(%arg9 : memref<640x128xf32, #tpu.memory_space<vmem>>) dst(%dma_wait3A_113 : memref<640x128xf32, #tpu.memory_space<hbm>>)
        tpu.yield
      }) : () -> ()
    }
    %scan3A_13 = arith.constant 10 : i32
    return
  }
}

#map = affine_map<(d0, d1) -> (0)>
#map1 = affine_map<(d0, d1) -> (0, 0)>
module attributes {stable_mosaic.version = 14 : i64} {
  func.func @gather(%arg0: i32, %arg1: i32, %arg2: memref<204800xi32, #tpu.memory_space<hbm>>, %arg3: memref<1000000x128xf32, #tpu.memory_space<hbm>>, %arg4: memref<204800x128xf32, #tpu.memory_space<hbm>>, %arg5: memref<6400xi32, #tpu.memory_space<vmem>>, %arg6: memref<640x128xf32, #tpu.memory_space<vmem>>, %arg7: memref<!tpu.dma_semaphore, #tpu.memory_space<semaphore_mem>>) attributes {dimension_semantics = [#tpu.dimension_semantics<core_parallel>, #tpu.dimension_semantics<subcore_parallel>], iteration_bounds = array<i64: 2, 16>, scalar_prefetch = 0 : i64, scratch_operands = 3 : i64, tpu.core_type = #tpu.core_type<sc_vector_subcore>, window_params = [{transform_indices = #map}, {transform_indices = #map1}, {transform_indices = #map1}]} {
    %mul3A = arith.constant 2 : i32
    %mul3A_0 = arith.muli %arg1, %mul3A : i32
    %add3A = arith.addi %mul3A_0, %arg0 : i32
    %mul3A_1 = arith.constant 6400 : i32
    %mul3A_2 = arith.muli %add3A, %mul3A_1 : i32
    "tpu.region"() ({
      %run_scoped3A = tpu.sem_alloc : memref<!tpu.dma_semaphore, #tpu.memory_space<semaphore_mem>>
      %dma_start3A = tpu.memref_slice %arg2[%mul3A_2] : memref<204800xi32, #tpu.memory_space<hbm>> -> memref<6400xi32, #tpu.memory_space<hbm>>
      %dma_start3A_8 = tpu.memref_slice %arg2[%mul3A_2] : memref<204800xi32, #tpu.memory_space<hbm>> -> memref<6400xi32, #tpu.memory_space<hbm>>
      tpu.enqueue_dma source(%dma_start3A_8 : memref<6400xi32, #tpu.memory_space<hbm>>) target(%arg5 : memref<6400xi32, #tpu.memory_space<vmem>>) target_semaphore(%run_scoped3A : memref<!tpu.dma_semaphore, #tpu.memory_space<semaphore_mem>>)
      %dma_wait3A = tpu.memref_slice %arg2[%mul3A_2] : memref<204800xi32, #tpu.memory_space<hbm>> -> memref<6400xi32, #tpu.memory_space<hbm>>
      %dma_wait3A_9 = tpu.memref_slice %arg2[%mul3A_2] : memref<204800xi32, #tpu.memory_space<hbm>> -> memref<6400xi32, #tpu.memory_space<hbm>>
      tpu.wait_dma2 semaphore(%run_scoped3A : memref<!tpu.dma_semaphore, #tpu.memory_space<semaphore_mem>>) src(%dma_wait3A_9 : memref<6400xi32, #tpu.memory_space<hbm>>) dst(%arg5 : memref<6400xi32, #tpu.memory_space<vmem>>)
      tpu.yield
    }) : () -> ()
    %scan3A = arith.constant 0 : i32
    %scan3A_3 = arith.constant 0 : i32
    %scan3A_4 = arith.constant 10 : i32
    %scan3A_5 = arith.addi %scan3A_3, %scan3A_4 : i32
    %scan3A_6 = arith.constant 1 : i32
    scf.for %scan3A_8 = %scan3A_3 to %scan3A_5 step %scan3A_6  : i32 {
      %mul3A_9 = arith.constant 640 : i32
      %mul3A_10 = arith.muli %scan3A_8, %mul3A_9 : i32
      %add3A_11 = arith.addi %mul3A_2, %mul3A_10 : i32
      %mul3A_12 = arith.constant 640 : i32
      %mul3A_13 = arith.muli %scan3A_8, %mul3A_12 : i32
      %add3A_14 = arith.constant 0 : i32
      %add3A_15 = arith.addi %mul3A_13, %add3A_14 : i32
      %dma_start3A = arith.constant 0 : i32
      %dma_start3A_16 = arith.constant 0 : i32
      %dma_start3A_17 = tpu.memref_slice %arg6[%dma_start3A, %dma_start3A_16] : memref<640x128xf32, #tpu.memory_space<vmem>> -> memref<128x128xf32, #tpu.memory_space<vmem>>
      %dma_start3A_18 = tpu.memref_slice %arg5[%add3A_15] : memref<6400xi32, #tpu.memory_space<vmem>> -> memref<128xi32, #tpu.memory_space<vmem>>
      %dma_start3A_19 = arith.constant 0 : i32
      %dma_start3A_20 = arith.constant 0 : i32
      %dma_start3A_21 = tpu.memref_slice %arg3[%dma_start3A_19, %dma_start3A_20] : memref<1000000x128xf32, #tpu.memory_space<hbm>> -> memref<1000000x128xf32, #tpu.memory_space<hbm>>
      tpu.enqueue_indirect_dma source(%dma_start3A_21 : memref<1000000x128xf32, #tpu.memory_space<hbm>>) target(%dma_start3A_17 : memref<128x128xf32, #tpu.memory_space<vmem>>) offsets(%dma_start3A_18 : memref<128xi32, #tpu.memory_space<vmem>>) semaphore(%arg7 : memref<!tpu.dma_semaphore, #tpu.memory_space<semaphore_mem>>)
      %mul3A_22 = arith.constant 640 : i32
      %mul3A_23 = arith.muli %scan3A_8, %mul3A_22 : i32
      %add3A_24 = arith.constant 128 : i32
      %add3A_25 = arith.addi %mul3A_23, %add3A_24 : i32
      %dma_start3A_26 = arith.constant 128 : i32
      %dma_start3A_27 = arith.constant 0 : i32
      %dma_start3A_28 = tpu.memref_slice %arg6[%dma_start3A_26, %dma_start3A_27] : memref<640x128xf32, #tpu.memory_space<vmem>> -> memref<128x128xf32, #tpu.memory_space<vmem>>
      %dma_start3A_29 = tpu.memref_slice %arg5[%add3A_25] : memref<6400xi32, #tpu.memory_space<vmem>> -> memref<128xi32, #tpu.memory_space<vmem>>
      %dma_start3A_30 = arith.constant 0 : i32
      %dma_start3A_31 = arith.constant 0 : i32
      %dma_start3A_32 = tpu.memref_slice %arg3[%dma_start3A_30, %dma_start3A_31] : memref<1000000x128xf32, #tpu.memory_space<hbm>> -> memref<1000000x128xf32, #tpu.memory_space<hbm>>
      tpu.enqueue_indirect_dma source(%dma_start3A_32 : memref<1000000x128xf32, #tpu.memory_space<hbm>>) target(%dma_start3A_28 : memref<128x128xf32, #tpu.memory_space<vmem>>) offsets(%dma_start3A_29 : memref<128xi32, #tpu.memory_space<vmem>>) semaphore(%arg7 : memref<!tpu.dma_semaphore, #tpu.memory_space<semaphore_mem>>)
      %mul3A_33 = arith.constant 640 : i32
      %mul3A_34 = arith.muli %scan3A_8, %mul3A_33 : i32
      %add3A_35 = arith.constant 256 : i32
      %add3A_36 = arith.addi %mul3A_34, %add3A_35 : i32
      %dma_start3A_37 = arith.constant 256 : i32
      %dma_start3A_38 = arith.constant 0 : i32
      %dma_start3A_39 = tpu.memref_slice %arg6[%dma_start3A_37, %dma_start3A_38] : memref<640x128xf32, #tpu.memory_space<vmem>> -> memref<128x128xf32, #tpu.memory_space<vmem>>
      %dma_start3A_40 = tpu.memref_slice %arg5[%add3A_36] : memref<6400xi32, #tpu.memory_space<vmem>> -> memref<128xi32, #tpu.memory_space<vmem>>
      %dma_start3A_41 = arith.constant 0 : i32
      %dma_start3A_42 = arith.constant 0 : i32
      %dma_start3A_43 = tpu.memref_slice %arg3[%dma_start3A_41, %dma_start3A_42] : memref<1000000x128xf32, #tpu.memory_space<hbm>> -> memref<1000000x128xf32, #tpu.memory_space<hbm>>
      tpu.enqueue_indirect_dma source(%dma_start3A_43 : memref<1000000x128xf32, #tpu.memory_space<hbm>>) target(%dma_start3A_39 : memref<128x128xf32, #tpu.memory_space<vmem>>) offsets(%dma_start3A_40 : memref<128xi32, #tpu.memory_space<vmem>>) semaphore(%arg7 : memref<!tpu.dma_semaphore, #tpu.memory_space<semaphore_mem>>)
      %mul3A_44 = arith.constant 640 : i32
      %mul3A_45 = arith.muli %scan3A_8, %mul3A_44 : i32
      %add3A_46 = arith.constant 384 : i32
      %add3A_47 = arith.addi %mul3A_45, %add3A_46 : i32
      %dma_start3A_48 = arith.constant 384 : i32
      %dma_start3A_49 = arith.constant 0 : i32
      %dma_start3A_50 = tpu.memref_slice %arg6[%dma_start3A_48, %dma_start3A_49] : memref<640x128xf32, #tpu.memory_space<vmem>> -> memref<128x128xf32, #tpu.memory_space<vmem>>
      %dma_start3A_51 = tpu.memref_slice %arg5[%add3A_47] : memref<6400xi32, #tpu.memory_space<vmem>> -> memref<128xi32, #tpu.memory_space<vmem>>
      %dma_start3A_52 = arith.constant 0 : i32
      %dma_start3A_53 = arith.constant 0 : i32
      %dma_start3A_54 = tpu.memref_slice %arg3[%dma_start3A_52, %dma_start3A_53] : memref<1000000x128xf32, #tpu.memory_space<hbm>> -> memref<1000000x128xf32, #tpu.memory_space<hbm>>
      tpu.enqueue_indirect_dma source(%dma_start3A_54 : memref<1000000x128xf32, #tpu.memory_space<hbm>>) target(%dma_start3A_50 : memref<128x128xf32, #tpu.memory_space<vmem>>) offsets(%dma_start3A_51 : memref<128xi32, #tpu.memory_space<vmem>>) semaphore(%arg7 : memref<!tpu.dma_semaphore, #tpu.memory_space<semaphore_mem>>)
      %mul3A_55 = arith.constant 640 : i32
      %mul3A_56 = arith.muli %scan3A_8, %mul3A_55 : i32
      %add3A_57 = arith.constant 512 : i32
      %add3A_58 = arith.addi %mul3A_56, %add3A_57 : i32
      %dma_start3A_59 = arith.constant 512 : i32
      %dma_start3A_60 = arith.constant 0 : i32
      %dma_start3A_61 = tpu.memref_slice %arg6[%dma_start3A_59, %dma_start3A_60] : memref<640x128xf32, #tpu.memory_space<vmem>> -> memref<128x128xf32, #tpu.memory_space<vmem>>
      %dma_start3A_62 = tpu.memref_slice %arg5[%add3A_58] : memref<6400xi32, #tpu.memory_space<vmem>> -> memref<128xi32, #tpu.memory_space<vmem>>
      %dma_start3A_63 = arith.constant 0 : i32
      %dma_start3A_64 = arith.constant 0 : i32
      %dma_start3A_65 = tpu.memref_slice %arg3[%dma_start3A_63, %dma_start3A_64] : memref<1000000x128xf32, #tpu.memory_space<hbm>> -> memref<1000000x128xf32, #tpu.memory_space<hbm>>
      tpu.enqueue_indirect_dma source(%dma_start3A_65 : memref<1000000x128xf32, #tpu.memory_space<hbm>>) target(%dma_start3A_61 : memref<128x128xf32, #tpu.memory_space<vmem>>) offsets(%dma_start3A_62 : memref<128xi32, #tpu.memory_space<vmem>>) semaphore(%arg7 : memref<!tpu.dma_semaphore, #tpu.memory_space<semaphore_mem>>)
      %dma_wait3A = arith.constant 0 : i32
      %dma_wait3A_66 = arith.constant 0 : i32
      %dma_wait3A_67 = tpu.memref_slice %arg6[%dma_wait3A, %dma_wait3A_66] : memref<640x128xf32, #tpu.memory_space<vmem>> -> memref<128x128xf32, #tpu.memory_space<vmem>>
      %dma_wait3A_68 = tpu.memref_slice %arg5[%add3A_15] : memref<6400xi32, #tpu.memory_space<vmem>> -> memref<128xi32, #tpu.memory_space<vmem>>
      %dma_wait3A_69 = arith.constant 0 : i32
      %dma_wait3A_70 = arith.constant 0 : i32
      %dma_wait3A_71 = tpu.memref_slice %arg3[%dma_wait3A_69, %dma_wait3A_70] : memref<1000000x128xf32, #tpu.memory_space<hbm>> -> memref<1000000x128xf32, #tpu.memory_space<hbm>>
      tpu.wait_indirect_dma semaphore(%arg7 : memref<!tpu.dma_semaphore, #tpu.memory_space<semaphore_mem>>) src(%dma_wait3A_71 : memref<1000000x128xf32, #tpu.memory_space<hbm>>) dst(%dma_wait3A_67 : memref<128x128xf32, #tpu.memory_space<vmem>>)
      %dma_wait3A_72 = arith.constant 128 : i32
      %dma_wait3A_73 = arith.constant 0 : i32
      %dma_wait3A_74 = tpu.memref_slice %arg6[%dma_wait3A_72, %dma_wait3A_73] : memref<640x128xf32, #tpu.memory_space<vmem>> -> memref<128x128xf32, #tpu.memory_space<vmem>>
      %dma_wait3A_75 = tpu.memref_slice %arg5[%add3A_25] : memref<6400xi32, #tpu.memory_space<vmem>> -> memref<128xi32, #tpu.memory_space<vmem>>
      %dma_wait3A_76 = arith.constant 0 : i32
      %dma_wait3A_77 = arith.constant 0 : i32
      %dma_wait3A_78 = tpu.memref_slice %arg3[%dma_wait3A_76, %dma_wait3A_77] : memref<1000000x128xf32, #tpu.memory_space<hbm>> -> memref<1000000x128xf32, #tpu.memory_space<hbm>>
      tpu.wait_indirect_dma semaphore(%arg7 : memref<!tpu.dma_semaphore, #tpu.memory_space<semaphore_mem>>) src(%dma_wait3A_78 : memref<1000000x128xf32, #tpu.memory_space<hbm>>) dst(%dma_wait3A_74 : memref<128x128xf32, #tpu.memory_space<vmem>>)
      %dma_wait3A_79 = arith.constant 256 : i32
      %dma_wait3A_80 = arith.constant 0 : i32
      %dma_wait3A_81 = tpu.memref_slice %arg6[%dma_wait3A_79, %dma_wait3A_80] : memref<640x128xf32, #tpu.memory_space<vmem>> -> memref<128x128xf32, #tpu.memory_space<vmem>>
      %dma_wait3A_82 = tpu.memref_slice %arg5[%add3A_36] : memref<6400xi32, #tpu.memory_space<vmem>> -> memref<128xi32, #tpu.memory_space<vmem>>
      %dma_wait3A_83 = arith.constant 0 : i32
      %dma_wait3A_84 = arith.constant 0 : i32
      %dma_wait3A_85 = tpu.memref_slice %arg3[%dma_wait3A_83, %dma_wait3A_84] : memref<1000000x128xf32, #tpu.memory_space<hbm>> -> memref<1000000x128xf32, #tpu.memory_space<hbm>>
      tpu.wait_indirect_dma semaphore(%arg7 : memref<!tpu.dma_semaphore, #tpu.memory_space<semaphore_mem>>) src(%dma_wait3A_85 : memref<1000000x128xf32, #tpu.memory_space<hbm>>) dst(%dma_wait3A_81 : memref<128x128xf32, #tpu.memory_space<vmem>>)
      %dma_wait3A_86 = arith.constant 384 : i32
      %dma_wait3A_87 = arith.constant 0 : i32
      %dma_wait3A_88 = tpu.memref_slice %arg6[%dma_wait3A_86, %dma_wait3A_87] : memref<640x128xf32, #tpu.memory_space<vmem>> -> memref<128x128xf32, #tpu.memory_space<vmem>>
      %dma_wait3A_89 = tpu.memref_slice %arg5[%add3A_47] : memref<6400xi32, #tpu.memory_space<vmem>> -> memref<128xi32, #tpu.memory_space<vmem>>
      %dma_wait3A_90 = arith.constant 0 : i32
      %dma_wait3A_91 = arith.constant 0 : i32
      %dma_wait3A_92 = tpu.memref_slice %arg3[%dma_wait3A_90, %dma_wait3A_91] : memref<1000000x128xf32, #tpu.memory_space<hbm>> -> memref<1000000x128xf32, #tpu.memory_space<hbm>>
      tpu.wait_indirect_dma semaphore(%arg7 : memref<!tpu.dma_semaphore, #tpu.memory_space<semaphore_mem>>) src(%dma_wait3A_92 : memref<1000000x128xf32, #tpu.memory_space<hbm>>) dst(%dma_wait3A_88 : memref<128x128xf32, #tpu.memory_space<vmem>>)
      %dma_wait3A_93 = arith.constant 512 : i32
      %dma_wait3A_94 = arith.constant 0 : i32
      %dma_wait3A_95 = tpu.memref_slice %arg6[%dma_wait3A_93, %dma_wait3A_94] : memref<640x128xf32, #tpu.memory_space<vmem>> -> memref<128x128xf32, #tpu.memory_space<vmem>>
      %dma_wait3A_96 = tpu.memref_slice %arg5[%add3A_58] : memref<6400xi32, #tpu.memory_space<vmem>> -> memref<128xi32, #tpu.memory_space<vmem>>
      %dma_wait3A_97 = arith.constant 0 : i32
      %dma_wait3A_98 = arith.constant 0 : i32
      %dma_wait3A_99 = tpu.memref_slice %arg3[%dma_wait3A_97, %dma_wait3A_98] : memref<1000000x128xf32, #tpu.memory_space<hbm>> -> memref<1000000x128xf32, #tpu.memory_space<hbm>>
      tpu.wait_indirect_dma semaphore(%arg7 : memref<!tpu.dma_semaphore, #tpu.memory_space<semaphore_mem>>) src(%dma_wait3A_99 : memref<1000000x128xf32, #tpu.memory_space<hbm>>) dst(%dma_wait3A_95 : memref<128x128xf32, #tpu.memory_space<vmem>>)
      "tpu.region"() ({
        %run_scoped3A = tpu.sem_alloc : memref<!tpu.dma_semaphore, #tpu.memory_space<semaphore_mem>>
        %dma_start3A_100 = arith.constant 0 : i32
        %dma_start3A_101 = tpu.memref_slice %arg4[%add3A_11, %dma_start3A_100] : memref<204800x128xf32, #tpu.memory_space<hbm>> -> memref<640x128xf32, #tpu.memory_space<hbm>>
        %dma_start3A_102 = arith.constant 0 : i32
        %dma_start3A_103 = tpu.memref_slice %arg4[%add3A_11, %dma_start3A_102] : memref<204800x128xf32, #tpu.memory_space<hbm>> -> memref<640x128xf32, #tpu.memory_space<hbm>>
        tpu.enqueue_dma source(%arg6 : memref<640x128xf32, #tpu.memory_space<vmem>>) target(%dma_start3A_103 : memref<640x128xf32, #tpu.memory_space<hbm>>) target_semaphore(%run_scoped3A : memref<!tpu.dma_semaphore, #tpu.memory_space<semaphore_mem>>)
        %dma_wait3A_104 = arith.constant 0 : i32
        %dma_wait3A_105 = tpu.memref_slice %arg4[%add3A_11, %dma_wait3A_104] : memref<204800x128xf32, #tpu.memory_space<hbm>> -> memref<640x128xf32, #tpu.memory_space<hbm>>
        %dma_wait3A_106 = arith.constant 0 : i32
        %dma_wait3A_107 = tpu.memref_slice %arg4[%add3A_11, %dma_wait3A_106] : memref<204800x128xf32, #tpu.memory_space<hbm>> -> memref<640x128xf32, #tpu.memory_space<hbm>>
        tpu.wait_dma2 semaphore(%run_scoped3A : memref<!tpu.dma_semaphore, #tpu.memory_space<semaphore_mem>>) src(%arg6 : memref<640x128xf32, #tpu.memory_space<vmem>>) dst(%dma_wait3A_107 : memref<640x128xf32, #tpu.memory_space<hbm>>)
        tpu.yield
      }) : () -> ()
    }
    %scan3A_7 = arith.constant 10 : i32
    return
  }
}

</mosaic_0001>

<sc_bundles>
// kernel: kernel.4.cloned.1.call-start
scs
__scs_entry_jumppad:
0x0: {  	(pc) =	sbr.rel $0x88, $3  }
0x1: {  	(tag) =	ssettag $0x0;
	lr =	simm.s32 $0x1  }
0x2: {  	[smem:$0x3F9B] =	sst lr;
	_ =	strace $0xD0000000  }
0x3: {  	_ = 	snop  }
0x4: {  	_ = 	snop  }
0x5: {  	_ = 	snop  }
0x6: {  	_ = 	snop  }
0x7: {  	_ = 	snop  }
__scs_overlays_trampoline_lowered:
0x8: {  	[smem:$0x3FAA] =	sst s0  }
0x9: {  	[smem:$0x3FAB] =	sst s1  }
0xa: {  	[smem:$0x3FAC] =	sst s2  }
0xb: {  	[smem:$0x3FAD] =	sst s3  }
0xc: {  	[smem:$0x3FAE] =	sst s4  }
0xd: {  	[smem:$0x3FAF] =	sst s5  }
0xe: {  	[smem:$0x3FB0] =	sst s6  }
0xf: {  	[smem:$0x3FB1] =	sst s7  }
0x10: {  	[smem:$0x3FB2] =	sst s8  }
0x11: {  	[smem:$0x3FB3] =	sst s9;
	s0 =	simm.s32 @!p0 $0x0  }
0x12: {  	s1 =	sld [smem:$0x3F99];
	s0 =	simm.s32 @p0 $0x1  }
0x13: {  	[smem:$0x3FB4] =	sst s0;
	s0 =	simm.s32 @!p1 $0x0  }
0x14: {  	s2 =	sld [smem:$0x3F98];
	s0 =	simm.s32 @p1 $0x1  }
0x15: {  	[smem:$0x3FB5] =	sst s0;
	s0 =	simm.s32 @!p2 $0x0  }
0x16: {  	s3 =	sld [smem:$0x3FDB];
	s0 =	simm.s32 @p2 $0x1  }
0x17: {  	s4 =	simm.s32 $0x1BF5;
	[smem:$0x3FB7] =	sst s0  }
0x18: {  	s0 =	sld [smem:$0x3F9A];
	_ =	swait.ge [sflag:s4], $0x0  }
0x19: {  	s7 =	sld [smem:$0x3F9B]  }
0x1a: {  	s8 =	sadd.s32 $0xFFFFE003, lr  }
0x1b: {  	s9 =	sadd.s32 $0xFFFFFEF7, lr;
	s5 =	simm.s32 $0xFFFFFFFF;
	p2 =	slt.u32 s8, $0xFFFFF086  }
0x1c: {  	p1 =	slt.u32 s9, $0xF7A;
	s5 =	simm.s32 @!p2 $0x0  }
0x1d: {  	s5 =	simm.s32 @p1 $0x1;
	p0 =	seq.s32 s7, s2  }
0x1e: {  	s7 =	smul.u32 @!p0 $0xF7A, s2;
	p2 =	seq.s32 @!p0 s5, $0x0  }
0x1f: {  	s9 =	smul.u32 $0xF7A, s1;
	s8 =	simm.s32 @!p0 $0x1BF5;
	p2 =	por !p2, p0  }
0x20: {  	[sflag:s8] =	ssyncset.s32 @!p0 $0xFFFFF086;
	s6 =	sadd.s32 @!p0 s3, s7;
	s7 =	simm.s32 @!p0 $0x108  }
0x21: {  	s3 =	sadd.s32 s3, s9;
	s6 =	sadd.s32 @!p0 $0x88, s6;
	s7 =	simm.s32 @p2 $0x1082  }
0x22: {  	[simem:s7], [sflag:s8] =	dma.local @!p0 [hbm:s6], $0xF7A  }
0x23: {  	s9 =	sor.u32 $0xD0000000, s2;
	s6 =	simm.s32 $0x108;
	_ =	swait.ge @!p0 [sflag:s8], $0x0  }
0x24: {  	s3 =	sadd.s32 $0x88, s3;
	s6 =	simm.s32 @!p1 $0x1082;
	[sflag:s4] =	ssyncset.s32 $0xFFFFF086  }
0x25: {  	[simem:s6], [sflag:s4] =	dma.local [hbm:s3], $0xF7A  }
0x26: {  	[smem:$0x3F9B] =	sst s1;
	(tag) =	ssettag s2;
	_ =	strace s9  }
0x27: {  	s1 =	sld [smem:$0x3FAB]  }
0x28: {  	s2 =	sld [smem:$0x3FAC]  }
0x29: {  	s4 =	sld [smem:$0x3FAE]  }
0x2a: {  	p0 =	seq.s32 s5, $0x0;
	s5 =	sld [smem:$0x3FAF]  }
0x2b: {  	s6 =	sld [smem:$0x3FB0]  }
0x2c: {  	s7 =	sld [smem:$0x3FB1]  }
0x2d: {  	s3 =	simm.s32 $0x108;
	s8 =	sld [smem:$0x3FB2]  }
0x2e: {  	s3 =	simm.s32 @!p0 $0x1082;
	s9 =	sld [smem:$0x3FB3]  }
0x2f: {  	lr =	sadd.s32 s0, s3;
	s0 =	sld [smem:$0x3FAA]  }
0x30: {  	s3 =	sld [smem:$0x3FAD]  }
0x31: {  	[smem:$0x3FB6] =	sst s10  }
0x32: {  	s10 =	sld [smem:$0x3FB4];
	_ =	sdelay $0x3  }
0x33: {  	p0 =	seq.s32 s10, $0x1;
	s10 =	sld [smem:$0x3FB6];
	_ =	sdelay $0x3  }
0x34: {  	[smem:$0x3FB6] =	sst s10  }
0x35: {  	s10 =	sld [smem:$0x3FB5];
	_ =	sdelay $0x3  }
0x36: {  	p1 =	seq.s32 s10, $0x1;
	s10 =	sld [smem:$0x3FB6];
	_ =	sdelay $0x3  }
0x37: {  	[smem:$0x3FB6] =	sst s10  }
0x38: {  	s10 =	sld [smem:$0x3FB7]  }
0x39: {  	_ = 	snop;
	(pc) =	sbr.ind lr, $3  }
0x3a: {  	_ = 	snop  }
0x3b: {  	_ = 	snop  }
0x3c: {  	p2 =	seq.s32 s10, $0x1;
	s10 =	sld [smem:$0x3FB6]  }
0x3d: {  	_ =	shalt  }
0x3e: {  	_ =	shalt  }
0x3f: {  	_ =	shalt  }
0x40: {  	_ =	shalt  }
0x41: {  	_ =	shalt  }
0x42: {  	_ =	shalt  }
0x43: {  	_ =	shalt  }
0x44: {  	_ =	shalt  }
0x45: {  	_ =	shalt  }
0x46: {  	_ =	shalt  }
0x47: {  	_ =	shalt  }
0x48: {  	_ =	shalt  }
0x49: {  	_ =	shalt  }
0x4a: {  	_ =	shalt  }
0x4b: {  	_ =	shalt  }
0x4c: {  	_ =	shalt  }
0x4d: {  	_ =	shalt  }
0x4e: {  	_ =	shalt  }
0x4f: {  	_ =	shalt  }
0x50: {  	_ =	shalt  }
0x51: {  	_ =	shalt  }
0x52: {  	_ =	shalt  }
0x53: {  	_ =	shalt  }
0x54: {  	_ =	shalt  }
0x55: {  	_ =	shalt  }
0x56: {  	_ =	shalt  }
0x57: {  	_ =	shalt  }
0x58: {  	_ =	shalt  }
0x59: {  	_ =	shalt  }
0x5a: {  	_ =	shalt  }
0x5b: {  	_ =	shalt  }
0x5c: {  	_ =	shalt  }
0x5d: {  	_ =	shalt  }
0x5e: {  	_ =	shalt  }
0x5f: {  	_ =	shalt  }
0x60: {  	_ =	shalt  }
0x61: {  	_ =	shalt  }
0x62: {  	_ =	shalt  }
0x63: {  	_ =	shalt  }
0x64: {  	_ =	shalt  }
0x65: {  	_ =	shalt  }
0x66: {  	_ =	shalt  }
0x67: {  	_ =	shalt  }
0x68: {  	_ =	shalt  }
0x69: {  	_ =	shalt  }
0x6a: {  	_ =	shalt  }
0x6b: {  	_ =	shalt  }
0x6c: {  	_ =	shalt  }
0x6d: {  	_ =	shalt  }
0x6e: {  	_ =	shalt  }
0x6f: {  	_ =	shalt  }
0x70: {  	_ =	shalt  }
0x71: {  	_ =	shalt  }
0x72: {  	_ =	shalt  }
0x73: {  	_ =	shalt  }
0x74: {  	_ =	shalt  }
0x75: {  	_ =	shalt  }
0x76: {  	_ =	shalt  }
0x77: {  	_ =	shalt  }
0x78: {  	_ =	shalt  }
0x79: {  	_ =	shalt  }
0x7a: {  	_ =	shalt  }
0x7b: {  	_ =	shalt  }
0x7c: {  	_ =	shalt  }
0x7d: {  	_ =	shalt  }
0x7e: {  	_ =	shalt  }
0x7f: {  	_ =	shalt  }
0x80: {  	_ =	shalt  }
0x81: {  	_ =	shalt  }
0x82: {  	_ =	shalt  }
0x83: {  	_ =	shalt  }
0x84: {  	_ =	shalt  }
0x85: {  	_ =	shalt  }
0x86: {  	_ =	shalt  }
0x87: {  	_ =	shalt  }
.Lfunc_end0:
.L_simem_size_0:
called_computation.1_lowered:
.L_overlay_start_0:
0x88: {  	s2 =	sld [smem:$0x3FD9]  }
0x89: {  	s3 =	sld [smem:$0x3FFE];
	_ =	sdelay $0x1  }
0x8a: {  	s1 =	srdreg.scid  }
0x8b: {  	s0 =	sand.u32 $0x1, s1  }
0x8c: {  	s16 =	sshll.u32 s0, $0xA;
	s2 =	sadd.s32 s3, s2  }
0x8d: {  	s2 =	sadd.s32 s2, s16  }
0x8e: {  	[smem:$0x3FC2] =	sst s2  }
0x8f: {  	_ = 	snop  }
0x90: {  	(tm) =	ssettm $0x1  }
0x91: {  	s17 =	sld [smem:$0x3FFB];
	_ =	sdelay $0x3  }
0x92: {  	_ =	strace s17  }
0x93: {  	s2 =	sld [smem:$0x3FFC];
	_ =	sdelay $0x3  }
0x94: {  	_ =	strace s2  }
0x95: {  	s2 =	sld [smem:$0x3FFD];
	_ =	sdelay $0x3  }
0x96: {  	_ =	strace s2  }
0x97: {  	_ =	strace $0x8FFFFFFF  }
0x98: {  	s18 =	sld [smem:$0x3FDB];
	_ =	sdelay $0x1  }
0x99: {  	s19 =	simm.s32 $_scs_section_size  }
0x9a: {  	s4 =	simm.s32 $_size__tile_overlayer_lowered;
	s5 =	simm.s32 $_tile_overlayer_lowered  }
0x9b: {  	s22 =	simm.s32 $0x1BFF;
	s21 =	sshll.u32 s5, $0x1;
	s2 =	sadd.s32 s19, s18  }
0x9c: {  	s6 =	simm.s32 $0x0;
	s20 =	sshll.u32 s4, $0x1;
	s4 =	sadd.s32 s21, s2  }
0x9d: {  	[timem:s6], [sflag:s22] =	dma.local [hbm:s4], s20  }
0x9e: {  	_ =	swait.ge [sflag:s22], s20  }
0x9f: {  	s3 =	ssub.s32 $0x0, s20;
	[sflag:s22] =	ssyncset.done $0x0  }
0xa0: {  	[sflag:s22] =	ssyncadd.s32 s3;
	_ =	sdelay $0x1  }
0xa1: {  	s23 =	simm.s32 $0x1B8B  }
0xa2: {  	_ =	swait.ge [sflag:s23], $0x1  }
0xa3: {  	[sflag:s23] =	ssyncset.done $0x0  }
0xa4: {  	s25 =	simm.s32 $0x1B8E;
	s24 =	sld [smem:$0x3FFE];
	[sflag:s23] =	ssyncadd.s32 $0xFFFFFFFF  }
0xa5: {  	s26 =	simm.s32 $execute0_lowered;
	[smem:$0x3FD2] =	sst s25  }
0xa6: {  	s4 =	sshll.u32 s26, $0x1;
	_ =	strace $0x80000046;
	[dreg:$0x1] =	wrdreg $0xFFFFFFFF  }
0xa7: {  	s28 =	simm.s32 $_size_execute0_lowered;
	s2 =	sadd.s32 s2, s4;
	[dreg:$0x0] =	wrdreg $0x0  }
0xa8: {  	s4 =	sshll.u32 s28, $0x1;
	[dreg:$0x2] =	wrdreg s2  }
0xa9: {  	[dreg:$0x3] =	wrdreg s4  }
0xaa: {  	[dreg:$0x4] =	wrdreg $0xC0  }
0xab: {  	_ =	task [dreg:s6], $0x5FFFF  }
0xac: {  	[dreg:$0x1] =	wrdreg $0xFFFFFFFF  }
0xad: {  	[dreg:$0x0] =	wrdreg $0x60  }
0xae: {  	[dreg:$0x2] =	wrdreg s24  }
0xaf: {  	[dreg:$0x3] =	wrdreg $0x9  }
0xb0: {  	_ =	task.clear_ibuf [dreg:s6], $0x4FFFF;
	_ =	strace $0x90000046  }
0xb1: {  	s29 =	simm.s32 $0x9;
	_ =	strace $0x80000048  }
0xb2: {  	_ =	swait.ge [sflag:s29], $0x1  }
0xb3: {  	[sflag:s29] =	ssyncadd.s32 $0xFFFFFFFF  }
0xb4: {  	_ =	strace $0x90000048  }
0xb5: {  	_ =	sfence  }
0xb6: {  	s30 =	sld [smem:$0x0];
	_ =	sdelay $0x2  }
0xb7: {  	s31 =	sshll.u32 s1, $0xD;
	s1 =	sshrl.u32 s1, $0x2  }
0xb8: {  	s3 =	sand.u32 $0x4000, s31;
	s1 =	sadd.s32 s1, s30  }
0xb9: {  	s0 =	sor.u32 s3, s0;
	s1 =	sshll.u32 s1, $0x11  }
0xba: {  	s0 =	sor.u32 s1, s0  }
0xbb: {  	s0 =	sadd.s32 $0x8F2B, s0  }
0xbc: {  	[sflag:s0] =	ssyncadd.remote.s32 $0x1  }
0xbd: {  	_ =	sfence.sel $0xFFFF  }
0xbe: {  	[dreg:$0x0] =	wrdreg $0xFFFFFFFF;
	(pc) =	sbr.abs _section_cstart, $3  }
0xbf: {  	[dreg:$0x1] =	wrdreg $0xFFFFFFFF  }
0xc0: {  	_ =	task.clear_ibuf [dreg:s6], $0x2FFFF;
	_ =	strace $0x9FFFFFFF  }
0xc1: {  	(tm) =	ssettm $0x7FFFFFFF  }
tec
execute0_lowered:
.L_overlay_start_1:
0x0: {  	(tag) =	ssettag $0x1  }
0x1: {  	s1 =	srdreg.scid  }
0x2: {  	s0 =	stileid.u32;
	s5 =	rddreg [dreg:$0x0]  }
0x3: {  	s2 =	simm.s32 $0x0;
	s11 =	simm.s32 $0x80;
	s12 =	simm.s32 $0x1900  }
0x4: {  	s13 =	simm.s32 $0x5900;
	s14 =	simm.s32 $0x9900;
	s15 =	simm.s32 $0xD900  }
0x5: {  	s16 =	simm.s32 $0x11900;
	s17 =	simm.s32 $0x1;
	s18 =	simm.s32 $0x0  }
0x6: {  	s4 =	sand.u32 $0x1, s1;
	s30 =	sshll.u32 s0, $0x1;
	s1 =	rddreg [dreg:$0x1]  }
0x7: {  	[smem:$0x7FF] =	sst s2;
	s7 =	smul.u32 $0x32000, s0;
	s3 =	sor.u32 s4, s30  }
0x8: {  	_ =	strace $0x80000047;
	s8 =	ssub.s32 $0x2, s4;
	s10 =	smul.u32 $0x19000, s4  }
0x9: {  	s3 =	smul.u32 $0x1900, s3;
	s9 =	sshrl.u32 s8, $0x1;
	s7 =	sadd.s32 s7, s5  }
0xa: {  	s4 =	sadd.s32 $0x11E00, s5;
	s8 =	ssub.s32 s8, s9;
	s31 =	sadd.s32 s10, s7  }
0xb: {  	s10 =	simm.s32 $0x2;
	s3 =	sshrl.u32 s3, $0x3;
	s7 =	smax.u32 s8, $0x1  }
0xc: {  	s8 =	sadd.s32 $0x198800, s31;
	s9 =	sadd.s32 $0x4B8800, s31;
	s6 =	sadd.s32 s3, s5  }
0xd: {  	s3 =	sadd.s32 $0x1600, s5;
	s5 =	sadd.s32 $0x5600, s6;
	s6 =	sadd.s32 $0xBA00, s6  }
.LBB2_1:
0xe: {  	[tilespmem:s2], [sflag:$0x2] =	stream.linear.gather [hbm4b:s5+s2], $0x1900, $0x38;
	[tilespmem:$0x15900] =	vst v63  }
0xf: {  	_ =	swait.ge [sflag:s10], $0x1900  }
0x10: {  	[sflag:s10] =	ssyncset.done $0x0  }
0x11: {  	s19 =	simm.s32 $0x0;
	[sflag:s10] =	ssyncadd.s32 $0xFFFFE700  }
0x12: {  	[tilespmem:s12], [sflag:$0x1] =	stream.indirect.gather [hbm4b:s3+s11], $0x80, s19, s11, $0xb8;
	[tilespmem:$0x15900] =	vst v63  }
0x13: {  	s28 =	simm.s32 $0x80  }
0x14: {  	[tilespmem:s13], [sflag:$0x1] =	stream.indirect.gather [hbm4b:s3+s11], $0x80, s28, s11, $0xb8;
	[tilespmem:$0x15900] =	vst v63  }
0x15: {  	s29 =	simm.s32 $0x100  }
0x16: {  	[tilespmem:s14], [sflag:$0x1] =	stream.indirect.gather [hbm4b:s3+s11], $0x80, s29, s11, $0xb8;
	[tilespmem:$0x15900] =	vst v63  }
0x17: {  	s30 =	simm.s32 $0x180  }
0x18: {  	[tilespmem:s15], [sflag:$0x1] =	stream.indirect.gather [hbm4b:s3+s11], $0x80, s30, s11, $0xb8;
	[tilespmem:$0x15900] =	vst v63  }
0x19: {  	s31 =	simm.s32 $0x200  }
0x1a: {  	[tilespmem:s16], [sflag:$0x1] =	stream.indirect.gather [hbm4b:s3+s11], $0x80, s31, s11, $0xb8;
	[tilespmem:$0x15900] =	vst v63  }
0x1b: {  	_ =	swait.ge [sflag:s17], $0x4000  }
0x1c: {  	[sflag:s17] =	ssyncset.done $0x0  }
0x1d: {  	[sflag:s17] =	ssyncadd.s32 $0xFFFFC000  }
0x1e: {  	_ =	swait.ge [sflag:s17], $0x4000  }
0x1f: {  	[sflag:s17] =	ssyncset.done $0x0  }
0x20: {  	[sflag:s17] =	ssyncadd.s32 $0xFFFFC000  }
0x21: {  	_ =	swait.ge [sflag:s17], $0x4000  }
0x22: {  	[sflag:s17] =	ssyncset.done $0x0  }
0x23: {  	[sflag:s17] =	ssyncadd.s32 $0xFFFFC000  }
0x24: {  	_ =	swait.ge [sflag:s17], $0x4000  }
0x25: {  	[sflag:s17] =	ssyncset.done $0x0  }
0x26: {  	[sflag:s17] =	ssyncadd.s32 $0xFFFFC000  }
0x27: {  	_ =	swait.ge [sflag:s17], $0x4000  }
0x28: {  	[sflag:s17] =	ssyncset.done $0x0  }
0x29: {  	[sflag:s17] =	ssyncadd.s32 $0xFFFFC000  }
0x2a: {  	[hbm4b:s8+s2] =	stream.linear.scatter [tilespmem:s12], [sflag:$0x2], $0x14000, $0x38;
	[tilespmem:$0x15900] =	vst v63  }
0x2b: {  	s20 =	simm.s32 $0xA00;
	_ =	swait.ge [sflag:s10], $0x14000  }
0x2c: {  	s21 =	simm.s32 $0x1400;
	s19 =	sadd.s32 $0x2800, s8;
	[sflag:s10] =	ssyncset.done $0x0  }
.LBB2_2:
0x2d: {  	s22 =	sshra.s32 s20, $0x2  }
0x2e: {  	[sflag:s10] =	ssyncadd.s32 $0xFFFEC000;
	s20 =	smov.u32 s21;
	s23 =	sadd.s32 $0xA00, s21  }
0x2f: {  	[tilespmem:s12], [sflag:$0x1] =	stream.indirect.gather [hbm4b:s3+s11], $0x80, s22, s11, $0xb8;
	[tilespmem:$0x15900] =	vst v63  }
0x30: {  	p0 =	sne.s32 s21, $0x5A00;
	s21 =	sadd.s32 $0x80, s22  }
0x31: {  	[tilespmem:s13], [sflag:$0x1] =	stream.indirect.gather [hbm4b:s3+s11], $0x80, s21, s11, $0xb8;
	[tilespmem:$0x15900] =	vst v63  }
0x32: {  	s21 =	sadd.s32 $0x100, s22  }
0x33: {  	[tilespmem:s14], [sflag:$0x1] =	stream.indirect.gather [hbm4b:s3+s11], $0x80, s21, s11, $0xb8;
	[tilespmem:$0x15900] =	vst v63  }
0x34: {  	s21 =	sadd.s32 $0x180, s22  }
0x35: {  	[tilespmem:s15], [sflag:$0x1] =	stream.indirect.gather [hbm4b:s3+s11], $0x80, s21, s11, $0xb8;
	[tilespmem:$0x15900] =	vst v63  }
0x36: {  	s21 =	sadd.s32 $0x200, s22  }
0x37: {  	[tilespmem:s16], [sflag:$0x1] =	stream.indirect.gather [hbm4b:s3+s11], $0x80, s21, s11, $0xb8;
	[tilespmem:$0x15900] =	vst v63  }
0x38: {  	_ =	swait.ge [sflag:s17], $0x4000  }
0x39: {  	[sflag:s17] =	ssyncset.done $0x0  }
0x3a: {  	[sflag:s17] =	ssyncadd.s32 $0xFFFFC000  }
0x3b: {  	_ =	swait.ge [sflag:s17], $0x4000  }
0x3c: {  	[sflag:s17] =	ssyncset.done $0x0  }
0x3d: {  	[sflag:s17] =	ssyncadd.s32 $0xFFFFC000  }
0x3e: {  	_ =	swait.ge [sflag:s17], $0x4000  }
0x3f: {  	[sflag:s17] =	ssyncset.done $0x0  }
0x40: {  	[sflag:s17] =	ssyncadd.s32 $0xFFFFC000  }
0x41: {  	_ =	swait.ge [sflag:s17], $0x4000  }
0x42: {  	[sflag:s17] =	ssyncset.done $0x0  }
0x43: {  	[sflag:s17] =	ssyncadd.s32 $0xFFFFC000  }
0x44: {  	_ =	swait.ge [sflag:s17], $0x4000  }
.Ltmp0:
0x45: {  	[sflag:s17] =	ssyncset.done $0x0;
	(pc) =	sbr.rel @p0 .LBB2_2-.Ltmp0, $4  }
0x46: {  	[sflag:s17] =	ssyncadd.s32 $0xFFFFC000  }
0x47: {  	[hbm4b:s19+s2] =	stream.linear.scatter [tilespmem:s12], [sflag:$0x2], $0x14000, $0x38;
	[tilespmem:$0x15900] =	vst v63  }
0x48: {  	_ =	swait.ge [sflag:s10], $0x14000  }
0x49: {  	s21 =	smov.u32 s23;
	s19 =	sadd.s32 $0x2800, s19;
	[sflag:s10] =	ssyncset.done $0x0  }
0x4a: {  	s20 =	sshra.s32 s20, $0x2;
	[sflag:s10] =	ssyncadd.s32 $0xFFFEC000  }
0x4b: {  	[tilespmem:s12], [sflag:$0x1] =	stream.indirect.gather [hbm4b:s3+s11], $0x80, s20, s11, $0xb8;
	[tilespmem:$0x15900] =	vst v63  }
0x4c: {  	s21 =	sadd.s32 $0x80, s20  }
0x4d: {  	[tilespmem:s13], [sflag:$0x1] =	stream.indirect.gather [hbm4b:s3+s11], $0x80, s21, s11, $0xb8;
	[tilespmem:$0x15900] =	vst v63  }
0x4e: {  	s23 =	sadd.s32 $0x100, s20  }
0x4f: {  	[tilespmem:s14], [sflag:$0x1] =	stream.indirect.gather [hbm4b:s3+s11], $0x80, s23, s11, $0xb8;
	[tilespmem:$0x15900] =	vst v63  }
0x50: {  	s24 =	sadd.s32 $0x180, s20  }
0x51: {  	[tilespmem:s15], [sflag:$0x1] =	stream.indirect.gather [hbm4b:s3+s11], $0x80, s24, s11, $0xb8;
	[tilespmem:$0x15900] =	vst v63  }
0x52: {  	s20 =	sadd.s32 $0x200, s20  }
0x53: {  	[tilespmem:s16], [sflag:$0x1] =	stream.indirect.gather [hbm4b:s3+s11], $0x80, s20, s11, $0xb8;
	[tilespmem:$0x15900] =	vst v63  }
0x54: {  	_ =	swait.ge [sflag:s17], $0x4000  }
0x55: {  	[sflag:s17] =	ssyncset.done $0x0  }
0x56: {  	[sflag:s17] =	ssyncadd.s32 $0xFFFFC000  }
0x57: {  	_ =	swait.ge [sflag:s17], $0x4000  }
0x58: {  	[sflag:s17] =	ssyncset.done $0x0  }
0x59: {  	[sflag:s17] =	ssyncadd.s32 $0xFFFFC000  }
0x5a: {  	_ =	swait.ge [sflag:s17], $0x4000  }
0x5b: {  	[sflag:s17] =	ssyncset.done $0x0  }
0x5c: {  	[sflag:s17] =	ssyncadd.s32 $0xFFFFC000  }
0x5d: {  	_ =	swait.ge [sflag:s17], $0x4000  }
0x5e: {  	[sflag:s17] =	ssyncset.done $0x0  }
0x5f: {  	[sflag:s17] =	ssyncadd.s32 $0xFFFFC000  }
0x60: {  	_ =	swait.ge [sflag:s17], $0x4000  }
0x61: {  	[sflag:s17] =	ssyncset.done $0x0  }
0x62: {  	[sflag:s17] =	ssyncadd.s32 $0xFFFFC000  }
0x63: {  	[hbm4b:s19+s2] =	stream.linear.scatter [tilespmem:s12], [sflag:$0x2], $0x14000, $0x38;
	[tilespmem:$0x15900] =	vst v63  }
0x64: {  	_ =	swait.ge [sflag:s10], $0x14000  }
0x65: {  	[sflag:s10] =	ssyncset.done $0x0  }
0x66: {  	s25 =	simm.s32 $0x0;
	[sflag:s10] =	ssyncadd.s32 $0xFFFEC000  }
0x67: {  	[tilespmem:s25], [sflag:$0x2] =	stream.linear.gather [hbm4b:s6+s25], $0x1900, $0x38;
	[tilespmem:$0x15900] =	vst v63  }
0x68: {  	_ =	swait.ge [sflag:s10], $0x1900  }
0x69: {  	[sflag:s10] =	ssyncset.done $0x0  }
0x6a: {  	s26 =	simm.s32 $0x0;
	[sflag:s10] =	ssyncadd.s32 $0xFFFFE700  }
0x6b: {  	[tilespmem:s12], [sflag:$0x1] =	stream.indirect.gather [hbm4b:s4+s11], $0x80, s26, s11, $0xb8;
	[tilespmem:$0x15900] =	vst v63  }
0x6c: {  	s28 =	simm.s32 $0x80  }
0x6d: {  	[tilespmem:s13], [sflag:$0x1] =	stream.indirect.gather [hbm4b:s4+s11], $0x80, s28, s11, $0xb8;
	[tilespmem:$0x15900] =	vst v63  }
0x6e: {  	s29 =	simm.s32 $0x100  }
0x6f: {  	[tilespmem:s14], [sflag:$0x1] =	stream.indirect.gather [hbm4b:s4+s11], $0x80, s29, s11, $0xb8;
	[tilespmem:$0x15900] =	vst v63  }
0x70: {  	s30 =	simm.s32 $0x180  }
0x71: {  	[tilespmem:s15], [sflag:$0x1] =	stream.indirect.gather [hbm4b:s4+s11], $0x80, s30, s11, $0xb8;
	[tilespmem:$0x15900] =	vst v63  }
0x72: {  	s31 =	simm.s32 $0x200  }
0x73: {  	[tilespmem:s16], [sflag:$0x1] =	stream.indirect.gather [hbm4b:s4+s11], $0x80, s31, s11, $0xb8;
	[tilespmem:$0x15900] =	vst v63  }
0x74: {  	_ =	swait.ge [sflag:s17], $0x4000  }
0x75: {  	[sflag:s17] =	ssyncset.done $0x0  }
0x76: {  	[sflag:s17] =	ssyncadd.s32 $0xFFFFC000  }
0x77: {  	_ =	swait.ge [sflag:s17], $0x4000  }
0x78: {  	[sflag:s17] =	ssyncset.done $0x0  }
0x79: {  	[sflag:s17] =	ssyncadd.s32 $0xFFFFC000  }
0x7a: {  	_ =	swait.ge [sflag:s17], $0x4000  }
0x7b: {  	[sflag:s17] =	ssyncset.done $0x0  }
0x7c: {  	[sflag:s17] =	ssyncadd.s32 $0xFFFFC000  }
0x7d: {  	_ =	swait.ge [sflag:s17], $0x4000  }
0x7e: {  	[sflag:s17] =	ssyncset.done $0x0  }
0x7f: {  	[sflag:s17] =	ssyncadd.s32 $0xFFFFC000  }
0x80: {  	_ =	swait.ge [sflag:s17], $0x4000  }
0x81: {  	[sflag:s17] =	ssyncset.done $0x0  }
0x82: {  	[sflag:s17] =	ssyncadd.s32 $0xFFFFC000  }
0x83: {  	[hbm4b:s9+s2] =	stream.linear.scatter [tilespmem:s12], [sflag:$0x2], $0x14000, $0x38;
	[tilespmem:$0x15900] =	vst v63  }
0x84: {  	s21 =	simm.s32 $0x1400;
	_ =	swait.ge [sflag:s10], $0x14000  }
0x85: {  	s20 =	simm.s32 $0xA00;
	s19 =	sadd.s32 $0x2800, s9;
	[sflag:s10] =	ssyncset.done $0x0  }
.LBB2_4:
0x86: {  	s22 =	sshra.s32 s20, $0x2  }
0x87: {  	[sflag:s10] =	ssyncadd.s32 $0xFFFEC000;
	s20 =	smov.u32 s21;
	s23 =	sadd.s32 $0xA00, s21  }
0x88: {  	[tilespmem:s12], [sflag:$0x1] =	stream.indirect.gather [hbm4b:s4+s11], $0x80, s22, s11, $0xb8;
	[tilespmem:$0x15900] =	vst v63  }
0x89: {  	p0 =	sne.s32 s21, $0x5A00;
	s21 =	sadd.s32 $0x80, s22  }
0x8a: {  	[tilespmem:s13], [sflag:$0x1] =	stream.indirect.gather [hbm4b:s4+s11], $0x80, s21, s11, $0xb8;
	[tilespmem:$0x15900] =	vst v63  }
0x8b: {  	s21 =	sadd.s32 $0x100, s22  }
0x8c: {  	[tilespmem:s14], [sflag:$0x1] =	stream.indirect.gather [hbm4b:s4+s11], $0x80, s21, s11, $0xb8;
	[tilespmem:$0x15900] =	vst v63  }
0x8d: {  	s21 =	sadd.s32 $0x180, s22  }
0x8e: {  	[tilespmem:s15], [sflag:$0x1] =	stream.indirect.gather [hbm4b:s4+s11], $0x80, s21, s11, $0xb8;
	[tilespmem:$0x15900] =	vst v63  }
0x8f: {  	s21 =	sadd.s32 $0x200, s22  }
0x90: {  	[tilespmem:s16], [sflag:$0x1] =	stream.indirect.gather [hbm4b:s4+s11], $0x80, s21, s11, $0xb8;
	[tilespmem:$0x15900] =	vst v63  }
0x91: {  	_ =	swait.ge [sflag:s17], $0x4000  }
0x92: {  	[sflag:s17] =	ssyncset.done $0x0  }
0x93: {  	[sflag:s17] =	ssyncadd.s32 $0xFFFFC000  }
0x94: {  	_ =	swait.ge [sflag:s17], $0x4000  }
0x95: {  	[sflag:s17] =	ssyncset.done $0x0  }
0x96: {  	[sflag:s17] =	ssyncadd.s32 $0xFFFFC000  }
0x97: {  	_ =	swait.ge [sflag:s17], $0x4000  }
0x98: {  	[sflag:s17] =	ssyncset.done $0x0  }
0x99: {  	[sflag:s17] =	ssyncadd.s32 $0xFFFFC000  }
0x9a: {  	_ =	swait.ge [sflag:s17], $0x4000  }
0x9b: {  	[sflag:s17] =	ssyncset.done $0x0  }
0x9c: {  	[sflag:s17] =	ssyncadd.s32 $0xFFFFC000  }
0x9d: {  	_ =	swait.ge [sflag:s17], $0x4000  }
.Ltmp1:
0x9e: {  	[sflag:s17] =	ssyncset.done $0x0;
	(pc) =	sbr.rel @p0 .LBB2_4-.Ltmp1, $4  }
0x9f: {  	[sflag:s17] =	ssyncadd.s32 $0xFFFFC000  }
0xa0: {  	[hbm4b:s19+s2] =	stream.linear.scatter [tilespmem:s12], [sflag:$0x2], $0x14000, $0x38;
	[tilespmem:$0x15900] =	vst v63  }
0xa1: {  	_ =	swait.ge [sflag:s10], $0x14000  }
0xa2: {  	s21 =	smov.u32 s23;
	s19 =	sadd.s32 $0x2800, s19;
	[sflag:s10] =	ssyncset.done $0x0  }
0xa3: {  	s20 =	sshra.s32 s20, $0x2;
	[sflag:s10] =	ssyncadd.s32 $0xFFFEC000  }
0xa4: {  	[tilespmem:s12], [sflag:$0x1] =	stream.indirect.gather [hbm4b:s4+s11], $0x80, s20, s11, $0xb8;
	[tilespmem:$0x15900] =	vst v63  }
0xa5: {  	s21 =	sadd.s32 $0x80, s20  }
0xa6: {  	[tilespmem:s13], [sflag:$0x1] =	stream.indirect.gather [hbm4b:s4+s11], $0x80, s21, s11, $0xb8;
	[tilespmem:$0x15900] =	vst v63  }
0xa7: {  	s30 =	sadd.s32 $0x100, s20  }
0xa8: {  	[tilespmem:s14], [sflag:$0x1] =	stream.indirect.gather [hbm4b:s4+s11], $0x80, s30, s11, $0xb8;
	[tilespmem:$0x15900] =	vst v63  }
0xa9: {  	s31 =	sadd.s32 $0x180, s20  }
0xaa: {  	[tilespmem:s15], [sflag:$0x1] =	stream.indirect.gather [hbm4b:s4+s11], $0x80, s31, s11, $0xb8;
	[tilespmem:$0x15900] =	vst v63  }
0xab: {  	s20 =	sadd.s32 $0x200, s20  }
0xac: {  	[tilespmem:s16], [sflag:$0x1] =	stream.indirect.gather [hbm4b:s4+s11], $0x80, s20, s11, $0xb8;
	[tilespmem:$0x15900] =	vst v63  }
0xad: {  	_ =	swait.ge [sflag:s17], $0x4000  }
0xae: {  	[sflag:s17] =	ssyncset.done $0x0  }
0xaf: {  	[sflag:s17] =	ssyncadd.s32 $0xFFFFC000  }
0xb0: {  	_ =	swait.ge [sflag:s17], $0x4000  }
0xb1: {  	[sflag:s17] =	ssyncset.done $0x0  }
0xb2: {  	[sflag:s17] =	ssyncadd.s32 $0xFFFFC000  }
0xb3: {  	_ =	swait.ge [sflag:s17], $0x4000  }
0xb4: {  	[sflag:s17] =	ssyncset.done $0x0  }
0xb5: {  	[sflag:s17] =	ssyncadd.s32 $0xFFFFC000  }
0xb6: {  	_ =	swait.ge [sflag:s17], $0x4000  }
0xb7: {  	[sflag:s17] =	ssyncset.done $0x0  }
0xb8: {  	[sflag:s17] =	ssyncadd.s32 $0xFFFFC000  }
0xb9: {  	s18 =	sadd.s32 $0x1, s18;
	_ =	swait.ge [sflag:s17], $0x4000  }
0xba: {  	p0 =	sne.s32 s18, s7;
	[sflag:s17] =	ssyncset.done $0x0  }
.Ltmp2:
0xbb: {  	[sflag:s17] =	ssyncadd.s32 $0xFFFFC000;
	(pc) =	sbr.rel @p0 .LBB2_1-.Ltmp2, $4  }
0xbc: {  	[hbm4b:s19+s2] =	stream.linear.scatter [tilespmem:s12], [sflag:$0x2], $0x14000, $0x38;
	[tilespmem:$0x15900] =	vst v63  }
0xbd: {  	_ =	swait.ge [sflag:s10], $0x14000  }
0xbe: {  	[sflag:s10] =	ssyncset.done $0x0  }
0xbf: {  	[sflag:s10] =	ssyncadd.s32 $0xFFFEC000  }
0xc0: {  	_ =	sfence.sel $0x180000  }
0xc1: {  	[bflag:$0x0] =	sbarrier.arrive $0xFFFF  }
0xc2: {  	p0 =	sne.s32 s0, $0x0;
	_ =	strace $0x90000047  }
0xc3: {  	s0 =	sadd.s32 @!p0 $0x100000, s1;
	[bflag:$0x2] =	sbarrier.arrive $0xFFFF  }
0xc4: {  	[sflag:s0] =	ssyncadd.tile.s32 @!p0 $0x1;
	_ =	shalt  }
.Lfunc_end2:
_tile_overlayer_lowered:
.L_overlay_start_2:
0xc5: {  	(tag) =	ssettag $0x2  }
0xc6: {  	s0 =	rddreg [dreg:$0x0];
	s2 =	stileid.u32  }
0xc7: {  	s1 =	rddreg [dreg:$0x1];
	p0 =	sne.s32 s2, $0x0  }
0xc8: {  	s3 =	rddreg [dreg:$0x2];
	[bflag:$0x3] =	sbarrier.arrive $0xFFFF;
	s2 =	simm.s32 @!p0 $0x1C02  }
0xc9: {  	[timem:s3], [sflag:s2] =	dma.local @!p0 [hbm:s0], s1  }
0xca: {  	s0 =	simm.s32 @!p0 $0x2  }
0xcb: {  	_ =	swait.ge @!p0 [sflag:s0], s1  }
0xcc: {  	s1 =	ssub.s32 @!p0 $0x0, s1;
	[sflag:s0] =	ssyncset.done @!p0 $0x0  }
0xcd: {  	[sflag:s0] =	ssyncadd.s32 @!p0 s1  }
0xce: {  	[bflag:$0x3] =	sbarrier.arrive $0xFFFF  }
0xcf: {  	_ =	shalt  }

// kernel: kernel.7.cloned.1.call-start
scs
__scs_entry_jumppad:
0x0: {  	(pc) =	sbr.rel $0x88, $3  }
0x1: {  	(tag) =	ssettag $0x0;
	lr =	simm.s32 $0x1  }
0x2: {  	[smem:$0x3F9B] =	sst lr;
	_ =	strace $0xD0000000  }
0x3: {  	_ = 	snop  }
0x4: {  	_ = 	snop  }
0x5: {  	_ = 	snop  }
0x6: {  	_ = 	snop  }
0x7: {  	_ = 	snop  }
__scs_overlays_trampoline_lowered:
0x8: {  	[smem:$0x3FAA] =	sst s0  }
0x9: {  	[smem:$0x3FAB] =	sst s1  }
0xa: {  	[smem:$0x3FAC] =	sst s2  }
0xb: {  	[smem:$0x3FAD] =	sst s3  }
0xc: {  	[smem:$0x3FAE] =	sst s4  }
0xd: {  	[smem:$0x3FAF] =	sst s5  }
0xe: {  	[smem:$0x3FB0] =	sst s6  }
0xf: {  	[smem:$0x3FB1] =	sst s7  }
0x10: {  	[smem:$0x3FB2] =	sst s8  }
0x11: {  	[smem:$0x3FB3] =	sst s9;
	s0 =	simm.s32 @!p0 $0x0  }
0x12: {  	s1 =	sld [smem:$0x3F99];
	s0 =	simm.s32 @p0 $0x1  }
0x13: {  	[smem:$0x3FB4] =	sst s0;
	s0 =	simm.s32 @!p1 $0x0  }
0x14: {  	s2 =	sld [smem:$0x3F98];
	s0 =	simm.s32 @p1 $0x1  }
0x15: {  	[smem:$0x3FB5] =	sst s0;
	s0 =	simm.s32 @!p2 $0x0  }
0x16: {  	s3 =	sld [smem:$0x3FDB];
	s0 =	simm.s32 @p2 $0x1  }
0x17: {  	s4 =	simm.s32 $0x1BF5;
	[smem:$0x3FB7] =	sst s0  }
0x18: {  	s0 =	sld [smem:$0x3F9A];
	_ =	swait.ge [sflag:s4], $0x0  }
0x19: {  	s7 =	sld [smem:$0x3F9B]  }
0x1a: {  	s8 =	sadd.s32 $0xFFFFE003, lr  }
0x1b: {  	s9 =	sadd.s32 $0xFFFFFEF7, lr;
	s5 =	simm.s32 $0xFFFFFFFF;
	p2 =	slt.u32 s8, $0xFFFFF086  }
0x1c: {  	p1 =	slt.u32 s9, $0xF7A;
	s5 =	simm.s32 @!p2 $0x0  }
0x1d: {  	s5 =	simm.s32 @p1 $0x1;
	p0 =	seq.s32 s7, s2  }
0x1e: {  	s7 =	smul.u32 @!p0 $0xF7A, s2;
	p2 =	seq.s32 @!p0 s5, $0x0  }
0x1f: {  	s9 =	smul.u32 $0xF7A, s1;
	s8 =	simm.s32 @!p0 $0x1BF5;
	p2 =	por !p2, p0  }
0x20: {  	[sflag:s8] =	ssyncset.s32 @!p0 $0xFFFFF086;
	s6 =	sadd.s32 @!p0 s3, s7;
	s7 =	simm.s32 @!p0 $0x108  }
0x21: {  	s3 =	sadd.s32 s3, s9;
	s6 =	sadd.s32 @!p0 $0x88, s6;
	s7 =	simm.s32 @p2 $0x1082  }
0x22: {  	[simem:s7], [sflag:s8] =	dma.local @!p0 [hbm:s6], $0xF7A  }
0x23: {  	s9 =	sor.u32 $0xD0000000, s2;
	s6 =	simm.s32 $0x108;
	_ =	swait.ge @!p0 [sflag:s8], $0x0  }
0x24: {  	s3 =	sadd.s32 $0x88, s3;
	s6 =	simm.s32 @!p1 $0x1082;
	[sflag:s4] =	ssyncset.s32 $0xFFFFF086  }
0x25: {  	[simem:s6], [sflag:s4] =	dma.local [hbm:s3], $0xF7A  }
0x26: {  	[smem:$0x3F9B] =	sst s1;
	(tag) =	ssettag s2;
	_ =	strace s9  }
0x27: {  	s1 =	sld [smem:$0x3FAB]  }
0x28: {  	s2 =	sld [smem:$0x3FAC]  }
0x29: {  	s4 =	sld [smem:$0x3FAE]  }
0x2a: {  	p0 =	seq.s32 s5, $0x0;
	s5 =	sld [smem:$0x3FAF]  }
0x2b: {  	s6 =	sld [smem:$0x3FB0]  }
0x2c: {  	s7 =	sld [smem:$0x3FB1]  }
0x2d: {  	s3 =	simm.s32 $0x108;
	s8 =	sld [smem:$0x3FB2]  }
0x2e: {  	s3 =	simm.s32 @!p0 $0x1082;
	s9 =	sld [smem:$0x3FB3]  }
0x2f: {  	lr =	sadd.s32 s0, s3;
	s0 =	sld [smem:$0x3FAA]  }
0x30: {  	s3 =	sld [smem:$0x3FAD]  }
0x31: {  	[smem:$0x3FB6] =	sst s10  }
0x32: {  	s10 =	sld [smem:$0x3FB4];
	_ =	sdelay $0x3  }
0x33: {  	p0 =	seq.s32 s10, $0x1;
	s10 =	sld [smem:$0x3FB6];
	_ =	sdelay $0x3  }
0x34: {  	[smem:$0x3FB6] =	sst s10  }
0x35: {  	s10 =	sld [smem:$0x3FB5];
	_ =	sdelay $0x3  }
0x36: {  	p1 =	seq.s32 s10, $0x1;
	s10 =	sld [smem:$0x3FB6];
	_ =	sdelay $0x3  }
0x37: {  	[smem:$0x3FB6] =	sst s10  }
0x38: {  	s10 =	sld [smem:$0x3FB7]  }
0x39: {  	_ = 	snop;
	(pc) =	sbr.ind lr, $3  }
0x3a: {  	_ = 	snop  }
0x3b: {  	_ = 	snop  }
0x3c: {  	p2 =	seq.s32 s10, $0x1;
	s10 =	sld [smem:$0x3FB6]  }
0x3d: {  	_ =	shalt  }
0x3e: {  	_ =	shalt  }
0x3f: {  	_ =	shalt  }
0x40: {  	_ =	shalt  }
0x41: {  	_ =	shalt  }
0x42: {  	_ =	shalt  }
0x43: {  	_ =	shalt  }
0x44: {  	_ =	shalt  }
0x45: {  	_ =	shalt  }
0x46: {  	_ =	shalt  }
0x47: {  	_ =	shalt  }
0x48: {  	_ =	shalt  }
0x49: {  	_ =	shalt  }
0x4a: {  	_ =	shalt  }
0x4b: {  	_ =	shalt  }
0x4c: {  	_ =	shalt  }
0x4d: {  	_ =	shalt  }
0x4e: {  	_ =	shalt  }
0x4f: {  	_ =	shalt  }
0x50: {  	_ =	shalt  }
0x51: {  	_ =	shalt  }
0x52: {  	_ =	shalt  }
0x53: {  	_ =	shalt  }
0x54: {  	_ =	shalt  }
0x55: {  	_ =	shalt  }
0x56: {  	_ =	shalt  }
0x57: {  	_ =	shalt  }
0x58: {  	_ =	shalt  }
0x59: {  	_ =	shalt  }
0x5a: {  	_ =	shalt  }
0x5b: {  	_ =	shalt  }
0x5c: {  	_ =	shalt  }
0x5d: {  	_ =	shalt  }
0x5e: {  	_ =	shalt  }
0x5f: {  	_ =	shalt  }
0x60: {  	_ =	shalt  }
0x61: {  	_ =	shalt  }
0x62: {  	_ =	shalt  }
0x63: {  	_ =	shalt  }
0x64: {  	_ =	shalt  }
0x65: {  	_ =	shalt  }
0x66: {  	_ =	shalt  }
0x67: {  	_ =	shalt  }
0x68: {  	_ =	shalt  }
0x69: {  	_ =	shalt  }
0x6a: {  	_ =	shalt  }
0x6b: {  	_ =	shalt  }
0x6c: {  	_ =	shalt  }
0x6d: {  	_ =	shalt  }
0x6e: {  	_ =	shalt  }
0x6f: {  	_ =	shalt  }
0x70: {  	_ =	shalt  }
0x71: {  	_ =	shalt  }
0x72: {  	_ =	shalt  }
0x73: {  	_ =	shalt  }
0x74: {  	_ =	shalt  }
0x75: {  	_ =	shalt  }
0x76: {  	_ =	shalt  }
0x77: {  	_ =	shalt  }
0x78: {  	_ =	shalt  }
0x79: {  	_ =	shalt  }
0x7a: {  	_ =	shalt  }
0x7b: {  	_ =	shalt  }
0x7c: {  	_ =	shalt  }
0x7d: {  	_ =	shalt  }
0x7e: {  	_ =	shalt  }
0x7f: {  	_ =	shalt  }
0x80: {  	_ =	shalt  }
0x81: {  	_ =	shalt  }
0x82: {  	_ =	shalt  }
0x83: {  	_ =	shalt  }
0x84: {  	_ =	shalt  }
0x85: {  	_ =	shalt  }
0x86: {  	_ =	shalt  }
0x87: {  	_ =	shalt  }
.Lfunc_end0:
.L_simem_size_0:
called_computation.2_lowered:
.L_overlay_start_0:
0x88: {  	s2 =	sld [smem:$0x3FD9]  }
0x89: {  	s3 =	sld [smem:$0x3FFE];
	_ =	sdelay $0x1  }
0x8a: {  	s1 =	srdreg.scid  }
0x8b: {  	s0 =	sand.u32 $0x1, s1  }
0x8c: {  	s17 =	sshll.u32 s0, $0xA;
	s2 =	sadd.s32 s3, s2  }
0x8d: {  	s2 =	sadd.s32 s2, s17  }
0x8e: {  	[smem:$0x3FC2] =	sst s2  }
0x8f: {  	_ = 	snop  }
0x90: {  	s18 =	sld [smem:$0x3FD0];
	(tm) =	ssettm $0x1  }
0x91: {  	s19 =	sld [smem:$0x3FFB];
	_ =	sdelay $0x3  }
0x92: {  	_ =	strace s19  }
0x93: {  	s2 =	sld [smem:$0x3FFC];
	_ =	sdelay $0x3  }
0x94: {  	_ =	strace s2  }
0x95: {  	s2 =	sld [smem:$0x3FFD];
	_ =	sdelay $0x3  }
0x96: {  	_ =	strace s2  }
0x97: {  	_ =	strace $0x8FFFFFFF  }
0x98: {  	s20 =	sld [smem:$0x3FDB];
	_ =	sdelay $0x1  }
0x99: {  	s4 =	simm.s32 $_scs_section_size  }
0x9a: {  	s5 =	simm.s32 $_size__tile_overlayer_lowered;
	s6 =	simm.s32 $_tile_overlayer_lowered  }
0x9b: {  	s7 =	simm.s32 $0x1BFF;
	s21 =	sshll.u32 s6, $0x1;
	s4 =	sadd.s32 s4, s20  }
0x9c: {  	s22 =	simm.s32 $0x0;
	s5 =	sshll.u32 s5, $0x1;
	s6 =	sadd.s32 s21, s4  }
0x9d: {  	[timem:s22], [sflag:s7] =	dma.local [hbm:s6], s5  }
0x9e: {  	_ =	swait.ge [sflag:s7], s5  }
0x9f: {  	s5 =	ssub.s32 $0x0, s5;
	[sflag:s7] =	ssyncset.done $0x0  }
0xa0: {  	[sflag:s7] =	ssyncadd.s32 s5;
	_ =	sdelay $0x1  }
0xa1: {  	s23 =	simm.s32 $0x1B8B  }
0xa2: {  	_ =	swait.ge [sflag:s23], $0x1  }
0xa3: {  	[sflag:s23] =	ssyncset.done $0x0  }
0xa4: {  	[sflag:s23] =	ssyncadd.s32 $0xFFFFFFFF  }
0xa5: {  	s5 =	sld [smem:$0x0]  }
0xa6: {  	s6 =	sand.u32 $0xFFFFFFFE, s1  }
0xa7: {  	p0 =	sne.s32 s1, s6  }
0xa8: {  	s6 =	sshll.u32 @p0 s6, $0xE  }
0xa9: {  	s6 =	sadd.s32 @p0 $0x11B8D, s6;
	s7 =	sshll.u32 @p0 s5, $0x11  }
0xaa: {  	s6 =	sor.u32 @p0 s7, s6  }
0xab: {  	[sflag:s6] =	ssyncadd.remote.s32 @p0 $0x1;
	_ =	sdelay $0x1  }
0xac: {  	s6 =	simm.s32 @p0 $0x1B8D  }
0xad: {  	_ =	swait.eq @p0 [sflag:s6], $0x1  }
0xae: {  	[sflag:s6] =	ssyncadd.s32 @p0 $0xFFFFFFFF  }
0xaf: {  	s7 =	sshll.u32 @!p0 s1, $0xE  }
0xb0: {  	s7 =	sor.u32 @!p0 $0x4000, s7;
	s6 =	simm.s32 @!p0 $0x1B8D  }
0xb1: {  	s5 =	sshll.u32 @!p0 s5, $0x11;
	s7 =	sadd.s32 @!p0 $0x11B8D, s7;
	_ =	swait.eq @!p0 [sflag:s6], $0x1  }
0xb2: {  	s5 =	sor.u32 @!p0 s5, s7;
	[sflag:s6] =	ssyncadd.s32 @!p0 $0xFFFFFFFF  }
0xb3: {  	s25 =	simm.s32 $0x1B8E;
	s24 =	sld [smem:$0x3FFE];
	[sflag:s5] =	ssyncadd.remote.s32 @!p0 $0x1  }
0xb4: {  	s26 =	simm.s32 $execute0_lowered;
	[smem:$0x3FD2] =	sst s25  }
0xb5: {  	s6 =	sshll.u32 s26, $0x1;
	_ =	strace $0x80000049;
	[dreg:$0x1] =	wrdreg $0xFFFFFFFF  }
0xb6: {  	s28 =	simm.s32 $_size_execute0_lowered;
	s4 =	sadd.s32 s4, s6;
	[dreg:$0x0] =	wrdreg $0x0  }
0xb7: {  	s6 =	sshll.u32 s28, $0x1;
	[dreg:$0x2] =	wrdreg s4  }
0xb8: {  	[dreg:$0x3] =	wrdreg s6  }
0xb9: {  	[dreg:$0x4] =	wrdreg $0xC0  }
0xba: {  	_ =	task [dreg:s22], $0x5FFFF  }
0xbb: {  	[dreg:$0x1] =	wrdreg $0xFFFFFFFF  }
0xbc: {  	[dreg:$0x0] =	wrdreg $0x60  }
0xbd: {  	[dreg:$0x2] =	wrdreg s24  }
0xbe: {  	[dreg:$0x3] =	wrdreg s18  }
0xbf: {  	[dreg:$0x4] =	wrdreg $0xA  }
0xc0: {  	_ =	task.clear_ibuf [dreg:s22], $0x5FFFF;
	_ =	strace $0x90000049  }
0xc1: {  	s29 =	simm.s32 $0xA;
	_ =	strace $0x8000004B  }
0xc2: {  	_ =	swait.ge [sflag:s29], $0x1  }
0xc3: {  	[sflag:s29] =	ssyncadd.s32 $0xFFFFFFFF  }
0xc4: {  	_ =	strace $0x9000004B  }
0xc5: {  	_ =	sfence  }
0xc6: {  	s30 =	sld [smem:$0x0];
	_ =	sdelay $0x2  }
0xc7: {  	s31 =	sshll.u32 s1, $0xD;
	s1 =	sshrl.u32 s1, $0x2  }
0xc8: {  	s4 =	sand.u32 $0x4000, s31;
	s1 =	sadd.s32 s1, s30  }
0xc9: {  	s0 =	sor.u32 s4, s0;
	s1 =	sshll.u32 s1, $0x11  }
0xca: {  	s0 =	sor.u32 s1, s0  }
0xcb: {  	s0 =	sadd.s32 $0x8F2B, s0  }
0xcc: {  	[sflag:s0] =	ssyncadd.remote.s32 $0x1  }
0xcd: {  	_ =	sfence.sel $0xFFFF  }
0xce: {  	[dreg:$0x0] =	wrdreg $0xFFFFFFFF;
	(pc) =	sbr.abs _section_cstart, $3  }
0xcf: {  	[dreg:$0x1] =	wrdreg $0xFFFFFFFF  }
0xd0: {  	_ =	task.clear_ibuf [dreg:s22], $0x2FFFF;
	_ =	strace $0x9FFFFFFF  }
0xd1: {  	(tm) =	ssettm $0x7FFFFFFF  }
tec
execute0_lowered:
.L_overlay_start_1:
0x0: {  	(tag) =	ssettag $0x1  }
0x1: {  	s3 =	rddreg [dreg:$0x0]  }
0x2: {  	s1 =	srdreg.scid;
	s0 =	stileid.u32  }
0x3: {  	s4 =	rddreg [dreg:$0x1];
	s2 =	simm.s32 $0x0;
	s11 =	simm.s32 $0x9900  }
0x4: {  	s12 =	simm.s32 $0xD900;
	s13 =	simm.s32 $0x11900;
	s14 =	simm.s32 $0x1  }
0x5: {  	s15 =	simm.s32 $0x0;
	s5 =	sand.u32 $0x1, s1;
	s1 =	rddreg [dreg:$0x2]  }
0x6: {  	s6 =	sshll.u32 s0, $0x1;
	[smem:$0x7FF] =	sst s2;
	s8 =	smul.u32 $0x32000, s0  }
0x7: {  	s6 =	sor.u32 s5, s6;
	s7 =	ssub.s32 $0x2, s5;
	s10 =	smul.u32 $0x19000, s5  }
0x8: {  	_ =	strace $0x8000004A;
	s6 =	smul.u32 $0x1900, s6;
	s9 =	sshrl.u32 s7, $0x1  }
0x9: {  	s31 =	sadd.s32 s8, s4;
	s8 =	simm.s32 $0x80;
	s30 =	ssub.s32 s7, s9  }
0xa: {  	s7 =	simm.s32 $0x2;
	s9 =	simm.s32 $0x1900;
	s6 =	sshrl.u32 s6, $0x3  }
0xb: {  	s5 =	smax.u32 s30, $0x1;
	s6 =	sadd.s32 s6, s3;
	s3 =	sadd.s32 $0x7DEC00, s3  }
0xc: {  	s4 =	sadd.s32 $0x7D8800, s6;
	s6 =	sadd.s32 s10, s31;
	s10 =	simm.s32 $0x5900  }
.LBB2_1:
0xd: {  	[tilespmem:s2], [sflag:$0x2] =	stream.linear.gather [hbm4b:s4+s2], $0x1900, $0x38;
	[tilespmem:$0x15900] =	vst v63  }
0xe: {  	_ =	swait.ge [sflag:s7], $0x1900  }
0xf: {  	[sflag:s7] =	ssyncset.done $0x0  }
0x10: {  	s16 =	simm.s32 $0x0;
	[sflag:s7] =	ssyncadd.s32 $0xFFFFE700  }
0x11: {  	[tilespmem:s9], [sflag:$0x1] =	stream.indirect.gather [hbm4b:s3+s8], $0x80, s16, s8, $0xb8;
	[tilespmem:$0x15900] =	vst v63  }
0x12: {  	s28 =	simm.s32 $0x80  }
0x13: {  	[tilespmem:s10], [sflag:$0x1] =	stream.indirect.gather [hbm4b:s3+s8], $0x80, s28, s8, $0xb8;
	[tilespmem:$0x15900] =	vst v63  }
0x14: {  	s29 =	simm.s32 $0x100  }
0x15: {  	[tilespmem:s11], [sflag:$0x1] =	stream.indirect.gather [hbm4b:s3+s8], $0x80, s29, s8, $0xb8;
	[tilespmem:$0x15900] =	vst v63  }
0x16: {  	s30 =	simm.s32 $0x180  }
0x17: {  	[tilespmem:s12], [sflag:$0x1] =	stream.indirect.gather [hbm4b:s3+s8], $0x80, s30, s8, $0xb8;
	[tilespmem:$0x15900] =	vst v63  }
0x18: {  	s31 =	simm.s32 $0x200  }
0x19: {  	[tilespmem:s13], [sflag:$0x1] =	stream.indirect.gather [hbm4b:s3+s8], $0x80, s31, s8, $0xb8;
	[tilespmem:$0x15900] =	vst v63  }
0x1a: {  	_ =	swait.ge [sflag:s14], $0x4000  }
0x1b: {  	[sflag:s14] =	ssyncset.done $0x0  }
0x1c: {  	[sflag:s14] =	ssyncadd.s32 $0xFFFFC000  }
0x1d: {  	_ =	swait.ge [sflag:s14], $0x4000  }
0x1e: {  	[sflag:s14] =	ssyncset.done $0x0  }
0x1f: {  	[sflag:s14] =	ssyncadd.s32 $0xFFFFC000  }
0x20: {  	_ =	swait.ge [sflag:s14], $0x4000  }
0x21: {  	[sflag:s14] =	ssyncset.done $0x0  }
0x22: {  	[sflag:s14] =	ssyncadd.s32 $0xFFFFC000  }
0x23: {  	_ =	swait.ge [sflag:s14], $0x4000  }
0x24: {  	[sflag:s14] =	ssyncset.done $0x0  }
0x25: {  	[sflag:s14] =	ssyncadd.s32 $0xFFFFC000  }
0x26: {  	_ =	swait.ge [sflag:s14], $0x4000  }
0x27: {  	[sflag:s14] =	ssyncset.done $0x0  }
0x28: {  	[sflag:s14] =	ssyncadd.s32 $0xFFFFC000  }
0x29: {  	[hbm4b:s6+s2] =	stream.linear.scatter [tilespmem:s9], [sflag:$0x2], $0x14000, $0x38;
	[tilespmem:$0x15900] =	vst v63  }
0x2a: {  	s17 =	simm.s32 $0xA00;
	_ =	swait.ge [sflag:s7], $0x14000  }
0x2b: {  	s18 =	simm.s32 $0x1400;
	s16 =	sadd.s32 $0x2800, s6;
	[sflag:s7] =	ssyncset.done $0x0  }
.LBB2_2:
0x2c: {  	s19 =	sshra.s32 s17, $0x2  }
0x2d: {  	[sflag:s7] =	ssyncadd.s32 $0xFFFEC000;
	s17 =	smov.u32 s18;
	s20 =	sadd.s32 $0xA00, s18  }
0x2e: {  	[tilespmem:s9], [sflag:$0x1] =	stream.indirect.gather [hbm4b:s3+s8], $0x80, s19, s8, $0xb8;
	[tilespmem:$0x15900] =	vst v63  }
0x2f: {  	p0 =	sne.s32 s18, $0x5A00;
	s18 =	sadd.s32 $0x80, s19  }
0x30: {  	[tilespmem:s10], [sflag:$0x1] =	stream.indirect.gather [hbm4b:s3+s8], $0x80, s18, s8, $0xb8;
	[tilespmem:$0x15900] =	vst v63  }
0x31: {  	s18 =	sadd.s32 $0x100, s19  }
0x32: {  	[tilespmem:s11], [sflag:$0x1] =	stream.indirect.gather [hbm4b:s3+s8], $0x80, s18, s8, $0xb8;
	[tilespmem:$0x15900] =	vst v63  }
0x33: {  	s18 =	sadd.s32 $0x180, s19  }
0x34: {  	[tilespmem:s12], [sflag:$0x1] =	stream.indirect.gather [hbm4b:s3+s8], $0x80, s18, s8, $0xb8;
	[tilespmem:$0x15900] =	vst v63  }
0x35: {  	s18 =	sadd.s32 $0x200, s19  }
0x36: {  	[tilespmem:s13], [sflag:$0x1] =	stream.indirect.gather [hbm4b:s3+s8], $0x80, s18, s8, $0xb8;
	[tilespmem:$0x15900] =	vst v63  }
0x37: {  	_ =	swait.ge [sflag:s14], $0x4000  }
0x38: {  	[sflag:s14] =	ssyncset.done $0x0  }
0x39: {  	[sflag:s14] =	ssyncadd.s32 $0xFFFFC000  }
0x3a: {  	_ =	swait.ge [sflag:s14], $0x4000  }
0x3b: {  	[sflag:s14] =	ssyncset.done $0x0  }
0x3c: {  	[sflag:s14] =	ssyncadd.s32 $0xFFFFC000  }
0x3d: {  	_ =	swait.ge [sflag:s14], $0x4000  }
0x3e: {  	[sflag:s14] =	ssyncset.done $0x0  }
0x3f: {  	[sflag:s14] =	ssyncadd.s32 $0xFFFFC000  }
0x40: {  	_ =	swait.ge [sflag:s14], $0x4000  }
0x41: {  	[sflag:s14] =	ssyncset.done $0x0  }
0x42: {  	[sflag:s14] =	ssyncadd.s32 $0xFFFFC000  }
0x43: {  	_ =	swait.ge [sflag:s14], $0x4000  }
.Ltmp0:
0x44: {  	[sflag:s14] =	ssyncset.done $0x0;
	(pc) =	sbr.rel @p0 .LBB2_2-.Ltmp0, $4  }
0x45: {  	[sflag:s14] =	ssyncadd.s32 $0xFFFFC000  }
0x46: {  	[hbm4b:s16+s2] =	stream.linear.scatter [tilespmem:s9], [sflag:$0x2], $0x14000, $0x38;
	[tilespmem:$0x15900] =	vst v63  }
0x47: {  	_ =	swait.ge [sflag:s7], $0x14000  }
0x48: {  	s18 =	smov.u32 s20;
	s16 =	sadd.s32 $0x2800, s16;
	[sflag:s7] =	ssyncset.done $0x0  }
0x49: {  	s17 =	sshra.s32 s17, $0x2;
	[sflag:s7] =	ssyncadd.s32 $0xFFFEC000  }
0x4a: {  	[tilespmem:s9], [sflag:$0x1] =	stream.indirect.gather [hbm4b:s3+s8], $0x80, s17, s8, $0xb8;
	[tilespmem:$0x15900] =	vst v63  }
0x4b: {  	s18 =	sadd.s32 $0x80, s17  }
0x4c: {  	[tilespmem:s10], [sflag:$0x1] =	stream.indirect.gather [hbm4b:s3+s8], $0x80, s18, s8, $0xb8;
	[tilespmem:$0x15900] =	vst v63  }
0x4d: {  	s30 =	sadd.s32 $0x100, s17  }
0x4e: {  	[tilespmem:s11], [sflag:$0x1] =	stream.indirect.gather [hbm4b:s3+s8], $0x80, s30, s8, $0xb8;
	[tilespmem:$0x15900] =	vst v63  }
0x4f: {  	s31 =	sadd.s32 $0x180, s17  }
0x50: {  	[tilespmem:s12], [sflag:$0x1] =	stream.indirect.gather [hbm4b:s3+s8], $0x80, s31, s8, $0xb8;
	[tilespmem:$0x15900] =	vst v63  }
0x51: {  	s17 =	sadd.s32 $0x200, s17  }
0x52: {  	[tilespmem:s13], [sflag:$0x1] =	stream.indirect.gather [hbm4b:s3+s8], $0x80, s17, s8, $0xb8;
	[tilespmem:$0x15900] =	vst v63  }
0x53: {  	_ =	swait.ge [sflag:s14], $0x4000  }
0x54: {  	[sflag:s14] =	ssyncset.done $0x0  }
0x55: {  	[sflag:s14] =	ssyncadd.s32 $0xFFFFC000  }
0x56: {  	_ =	swait.ge [sflag:s14], $0x4000  }
0x57: {  	[sflag:s14] =	ssyncset.done $0x0  }
0x58: {  	[sflag:s14] =	ssyncadd.s32 $0xFFFFC000  }
0x59: {  	_ =	swait.ge [sflag:s14], $0x4000  }
0x5a: {  	[sflag:s14] =	ssyncset.done $0x0  }
0x5b: {  	[sflag:s14] =	ssyncadd.s32 $0xFFFFC000  }
0x5c: {  	_ =	swait.ge [sflag:s14], $0x4000  }
0x5d: {  	[sflag:s14] =	ssyncset.done $0x0  }
0x5e: {  	[sflag:s14] =	ssyncadd.s32 $0xFFFFC000  }
0x5f: {  	s15 =	sadd.s32 $0x1, s15;
	_ =	swait.ge [sflag:s14], $0x4000  }
0x60: {  	p0 =	sne.s32 s15, s5;
	[sflag:s14] =	ssyncset.done $0x0  }
.Ltmp1:
0x61: {  	[sflag:s14] =	ssyncadd.s32 $0xFFFFC000;
	(pc) =	sbr.rel @p0 .LBB2_1-.Ltmp1, $4  }
0x62: {  	[hbm4b:s16+s2] =	stream.linear.scatter [tilespmem:s9], [sflag:$0x2], $0x14000, $0x38;
	[tilespmem:$0x15900] =	vst v63  }
0x63: {  	_ =	swait.ge [sflag:s7], $0x14000  }
0x64: {  	[sflag:s7] =	ssyncset.done $0x0  }
0x65: {  	[sflag:s7] =	ssyncadd.s32 $0xFFFEC000  }
0x66: {  	_ =	sfence.sel $0x180000  }
0x67: {  	[bflag:$0x0] =	sbarrier.arrive $0xFFFF  }
0x68: {  	p0 =	sne.s32 s0, $0x0;
	_ =	strace $0x9000004A  }
0x69: {  	s0 =	sadd.s32 @!p0 $0x100000, s1;
	[bflag:$0x2] =	sbarrier.arrive $0xFFFF  }
0x6a: {  	[sflag:s0] =	ssyncadd.tile.s32 @!p0 $0x1;
	_ =	shalt  }
.Lfunc_end2:
_tile_overlayer_lowered:
.L_overlay_start_2:
0x6b: {  	(tag) =	ssettag $0x2  }
0x6c: {  	s0 =	rddreg [dreg:$0x0];
	s2 =	stileid.u32  }
0x6d: {  	s1 =	rddreg [dreg:$0x1];
	p0 =	sne.s32 s2, $0x0  }
0x6e: {  	s3 =	rddreg [dreg:$0x2];
	[bflag:$0x3] =	sbarrier.arrive $0xFFFF;
	s2 =	simm.s32 @!p0 $0x1C02  }
0x6f: {  	[timem:s3], [sflag:s2] =	dma.local @!p0 [hbm:s0], s1  }
0x70: {  	s0 =	simm.s32 @!p0 $0x2  }
0x71: {  	_ =	swait.ge @!p0 [sflag:s0], s1  }
0x72: {  	s1 =	ssub.s32 @!p0 $0x0, s1;
	[sflag:s0] =	ssyncset.done @!p0 $0x0  }
0x73: {  	[sflag:s0] =	ssyncadd.s32 @!p0 s1  }
0x74: {  	[bflag:$0x3] =	sbarrier.arrive $0xFFFF  }
0x75: {  	_ =	shalt  }

// kernel: sparse-core-data-format-call.cloned.1.call-start
scs
called_computation_lowered:
.L_overlay_start_0:
0x0: {  	s2 =	sld [smem:$0x3FD9]  }
0x1: {  	s3 =	sld [smem:$0x3FFE];
	_ =	sdelay $0x1  }
0x2: {  	s1 =	srdreg.scid  }
0x3: {  	s0 =	sand.u32 $0x1, s1  }
0x4: {  	s18 =	sshll.u32 s0, $0xA;
	s2 =	sadd.s32 s3, s2  }
0x5: {  	s2 =	sadd.s32 s2, s18  }
0x6: {  	[smem:$0x3FC2] =	sst s2  }
0x7: {  	_ = 	snop  }
0x8: {  	s2 =	sld [smem:$0x3FD0];
	(tm) =	ssettm $0x1  }
0x9: {  	s19 =	sld [smem:$0x3FFB];
	_ =	sdelay $0x3  }
0xa: {  	_ =	strace s19  }
0xb: {  	s3 =	sld [smem:$0x3FFC];
	_ =	sdelay $0x3  }
0xc: {  	_ =	strace s3  }
0xd: {  	s3 =	sld [smem:$0x3FFD];
	_ =	sdelay $0x3  }
0xe: {  	_ =	strace s3  }
0xf: {  	_ =	strace $0x8FFFFFFF  }
0x10: {  	s20 =	sld [smem:$0x3FDB];
	_ =	sdelay $0x1  }
0x11: {  	s4 =	simm.s32 $_scs_section_size  }
0x12: {  	s5 =	simm.s32 $_size__tile_overlayer_lowered;
	s6 =	simm.s32 $_tile_overlayer_lowered  }
0x13: {  	s23 =	simm.s32 $0x1BFF;
	s22 =	sshll.u32 s6, $0x1;
	s3 =	sadd.s32 s4, s20  }
0x14: {  	s7 =	simm.s32 $0x0;
	s21 =	sshll.u32 s5, $0x1;
	s5 =	sadd.s32 s22, s3  }
0x15: {  	[timem:s7], [sflag:s23] =	dma.local [hbm:s5], s21  }
0x16: {  	_ =	swait.ge [sflag:s23], s21  }
0x17: {  	s4 =	ssub.s32 $0x0, s21;
	[sflag:s23] =	ssyncset.done $0x0  }
0x18: {  	[sflag:s23] =	ssyncadd.s32 s4;
	_ =	sdelay $0x1  }
0x19: {  	s24 =	simm.s32 $0x1B8B  }
0x1a: {  	_ =	swait.ge [sflag:s24], $0x1  }
0x1b: {  	[sflag:s24] =	ssyncset.done $0x0  }
0x1c: {  	s26 =	simm.s32 $0x1B8E;
	s25 =	sld [smem:$0x3FFE];
	[sflag:s24] =	ssyncadd.s32 $0xFFFFFFFF  }
0x1d: {  	s27 =	simm.s32 $execute0_lowered;
	[smem:$0x3FD2] =	sst s26  }
0x1e: {  	s5 =	sshll.u32 s27, $0x1;
	_ =	strace $0x8000004C;
	[dreg:$0x1] =	wrdreg $0xFFFFFFFF  }
0x1f: {  	s28 =	simm.s32 $_size_execute0_lowered;
	s3 =	sadd.s32 s3, s5;
	[dreg:$0x0] =	wrdreg $0x0  }
0x20: {  	s5 =	sshll.u32 s28, $0x1;
	[dreg:$0x2] =	wrdreg s3  }
0x21: {  	[dreg:$0x3] =	wrdreg s5  }
0x22: {  	[dreg:$0x4] =	wrdreg $0xC0  }
0x23: {  	_ =	task [dreg:s7], $0x5FFFF  }
0x24: {  	[dreg:$0x1] =	wrdreg $0xFFFFFFFF  }
0x25: {  	[dreg:$0x0] =	wrdreg $0x60  }
0x26: {  	[dreg:$0x2] =	wrdreg s25  }
0x27: {  	[dreg:$0x3] =	wrdreg s2  }
0x28: {  	[dreg:$0x4] =	wrdreg $0x9  }
0x29: {  	_ =	task.clear_ibuf [dreg:s7], $0x5FFFF;
	_ =	strace $0x9000004C  }
0x2a: {  	s29 =	simm.s32 $0x9;
	_ =	strace $0x8000004E  }
0x2b: {  	_ =	swait.ge [sflag:s29], $0x1  }
0x2c: {  	[sflag:s29] =	ssyncadd.s32 $0xFFFFFFFF  }
0x2d: {  	_ =	strace $0x9000004E  }
0x2e: {  	_ =	sfence  }
0x2f: {  	s30 =	sld [smem:$0x0];
	_ =	sdelay $0x2  }
0x30: {  	s31 =	sshll.u32 s1, $0xD;
	s1 =	sshrl.u32 s1, $0x2  }
0x31: {  	s3 =	sand.u32 $0x4000, s31;
	s1 =	sadd.s32 s1, s30  }
0x32: {  	s0 =	sor.u32 s3, s0;
	s1 =	sshll.u32 s1, $0x11  }
0x33: {  	s0 =	sor.u32 s1, s0  }
0x34: {  	s0 =	sadd.s32 $0x8F2B, s0  }
0x35: {  	[sflag:s0] =	ssyncadd.remote.s32 $0x1  }
0x36: {  	_ =	sfence.sel $0xFFFF  }
0x37: {  	[dreg:$0x0] =	wrdreg $0xFFFFFFFF;
	(pc) =	sbr.abs _section_cstart, $3  }
0x38: {  	[dreg:$0x1] =	wrdreg $0xFFFFFFFF  }
0x39: {  	_ =	task.clear_ibuf [dreg:s7], $0x2FFFF;
	_ =	strace $0x9FFFFFFF  }
0x3a: {  	(tm) =	ssettm $0x7FFFFFFF  }
0x3b: {  	_ =	shalt  }
tec
execute0_lowered:
.L_overlay_start_1:
0x0: {  	(tag) =	ssettag $0x1  }
0x1: {  	s4 =	rddreg [dreg:$0x0]  }
0x2: {  	s0 =	stileid.u32;
	s2 =	rddreg [dreg:$0x1]  }
0x3: {  	s7 =	srdreg.scid;
	s8 =	simm.s32 $0x2;
	s17 =	simm.s32 $0x0  }
0x4: {  	s9 =	simm.s32 $0x32000;
	s19 =	simm.s32 $0x0;
	s18 =	simm.s32 $0x0  }
0x5: {  	s10 =	simm.s32 $0x0;
	s11 =	simm.s32 $0x0;
	s1 =	sshll.u32 s0, $0x7  }
0x6: {  	s12 =	simm.s32 $0x0;
	s13 =	simm.s32 $0x0;
	s3 =	sand.u32 $0x380, s1  }
0x7: {  	s16 =	simm.s32 $0x0;
	s7 =	sshll.u32 s7, $0x4;
	s5 =	ssub.s32 $0x400, s3  }
0x8: {  	s4 =	sadd.s32 $0x7D8800, s4;
	s1 =	rddreg [dreg:$0x2];
	s6 =	sand.u32 $0x380, s5  }
0x9: {  	s7 =	sand.u32 $0x10, s7;
	p0 =	sne.s32 s6, $0x0;
	s6 =	simm.s32 $0x1  }
.Ltmp0:
0xa: {  	s5 =	sshrl.u32 s5, $0xA;
	s6 =	simm.s32 @!p0 $0x0;
	(pc) =	sbr.rel .LBB1_1-.Ltmp0, $4  }
0xb: {  	_ =	strace $0x8000004D;
	s7 =	sor.u32 s0, s7;
	s6 =	sadd.s32 s6, s5  }
0xc: {  	s7 =	sshrl.u32 s7, $0x3;
	s5 =	simm.s32 $0x1;
	s6 =	smul.u32 $0x96, s6  }
0xd: {  	s15 =	smov.u32 s3;
	s14 =	smov.u32 s7;
	[sflag:s5] =	ssyncpa.u1 $0x0  }
0xe: {  	p0 =	por $0x0, $0x0;
	[sflag:s8] =	ssyncpa.u1 $0x0;
	s8 =	sor.u32 $0x1, s6  }
.LBB1_4:
0xf: {  	s25 =	sshll.u32 s11, $0xA;
	s26 =	sshll.u32 s12, $0x3;
	s24 =	sshra.s32 s24, $0x2  }
0x10: {  	p1 =	sgt.s32 s10, $0xAC;
	s27 =	sshra.s32 s11, $0x1F;
	s28 =	sshra.s32 s10, $0x1F  }
0x11: {  	s29 =	sshra.s32 s12, $0x1F;
	s25 =	sand.u32 $0xFFFFE000, s25;
	s26 =	sand.u32 $0xFFFFFC00, s26  }
0x12: {  	s23 =	sadd.s32 s24, s23;
	s27 =	sand.u32 s27, s11;
	s25 =	sadd.s32 s26, s25  }
0x13: {  	s28 =	sand.u32 s28, s10;
	s24 =	sshrl.u32 s25, $0xA;
	s25 =	smov.u32 s10  }
0x14: {  	s26 =	smov.u32 s11;
	s25 =	simm.s32 @!p1 $0xAC;
	p1 =	sgt.s32 s11, $0xC7  }
0x15: {  	[tilespmem:s22+$0x2040 ss:$0x81] =	vst.msk $0xffff, v4;
	s29 =	sand.u32 s29, s12;
	s30 =	smulhi.u32 $0x147AE15, s24;
	s26 =	simm.s32 @!p1 $0xC7  }
0x16: {  	v5 =	vld [tilespmem:s21+$0xFFFFFFD0];
	[tilespmem:s22+$0x2850 ss:$0x81] =	vst.msk $0xffff, v3;
	p1 =	sgt.s32 s12, $0x380;
	s25 =	ssub.s32 s25, s28;
	s26 =	ssub.s32 s26, s27  }
0x17: {  	v58 =	vld [tilespmem:s21+$0xFFFFFFE0];
	[tilespmem:s22+$0x3060 ss:$0x81] =	vst.msk $0xffff, v2;
	s27 =	smov.u32 s12;
	s28 =	sadd.s32 $0xFFFFFF54, s25;
	s25 =	ssub.s32 $0x12C, s25  }
0x18: {  	v59 =	vld [tilespmem:s21+$0xFFFFFFF0];
	[tilespmem:s22+$0x0 ss:$0x81] =	vst.msk $0xffff, v1;
	s27 =	simm.s32 @!p1 $0x380;
	s31 =	sadd.s32 $0xFFFFFF39, s26;
	s22 =	ssub.s32 $0xC8, s26  }
0x19: {  	v60 =	vld [tilespmem:s21+$0x0];
	s27 =	ssub.s32 s27, s29;
	p1 =	sgt.s32 s31, $0x0;
	s29 =	smul.u32 $0xC8, s30  }
0x1a: {  	v61 =	vld [tilespmem:s21+$0x10];
	[tilespmem:s23+$0x3870 ss:$0x81] =	vst.msk $0xffff, v0;
	s30 =	sshll.u32 s11, $0x7;
	s31 =	sadd.s32 $0xFFFFFC80, s27;
	s26 =	ssub.s32 $0x400, s27  }
0x1b: {  	v62 =	vld [tilespmem:s21+$0x20];
	[tilespmem:s23+$0x810 ss:$0x81] =	vst.msk $0xffff, v5;
	s22 =	simm.s32 @p1 $0x0;
	p1 =	sgt.s32 s28, $0x7F;
	p2 =	sgt.s32 s31, $0x7F  }
0x1c: {  	v63 =	vld [tilespmem:s21+$0xFFFFFFC0];
	[tilespmem:s23+$0x1020 ss:$0x81] =	vst.msk $0xffff, v58;
	s27 =	sand.u32 $0x78, s12;
	s31 =	smul.u32 $0x6400, s10;
	s26 =	simm.s32 @p2 $0x0  }
0x1d: {  	[tilespmem:s23+$0x1830 ss:$0x81] =	vst.msk $0xffff, v59;
	s21 =	sand.u32 $0x380, s30;
	s25 =	simm.s32 @p1 $0x0;
	s22 =	smul.u32 s26, s22  }
0x1e: {  	[tilespmem:s23+$0x2040 ss:$0x81] =	vst.msk $0xffff, v60;
	s21 =	sor.u32 s27, s21;
	s24 =	ssub.s32 s24, s29;
	s29 =	sand.u32 $0x7, s12  }
0x1f: {  	[tilespmem:s23+$0x2850 ss:$0x81] =	vst.msk $0xffff, v61;
	s21 =	sshrl.u32 s21, $0x3;
	s28 =	sadd.s32 s2, s31;
	s22 =	smul.u32 s25, s22  }
0x20: {  	[tilespmem:s23+$0x3060 ss:$0x81] =	vst.msk $0xffff, v62;
	s24 =	sshll.u32 s24, $0x7;
	s30 =	sshll.u32 s29, $0x12;
	s21 =	sadd.s32 s21, s28  }
0x21: {  	[tilespmem:s23+$0x0 ss:$0x81] =	vst.msk $0xffff, v63;
	s31 =	sor.u32 $0x80, s30;
	s21 =	sadd.s32 s24, s21;
	s22 =	sand.u32 $0x3FFFFFFF, s22  }
0x22: {  	[hbm4b:s21+s31] =	stream.strided.scatter [tilespmem:s20], [sflag:$0x2], s22, s9, s31, $0x20;
	[tilespmem:$0x10100] =	vst v63  }
.LBB1_5:
0x23: {  	p1 =	slt.u32 s16, $0x2;
	s21 =	smov.u32 s19  }
0x24: {  	p2 =	sgt.s32 @!p1 s17, $0xAC;
	s20 =	sshra.s32 @!p1 s17, $0x1F;
	p3 =	sgt.s32 @!p1 s19, $0xC7  }
0x25: {  	s22 =	sshra.s32 @!p1 s19, $0x1F;
	p2 =	por !p2, p1;
	s20 =	sand.u32 @!p1 s20, s17  }
0x26: {  	p3 =	por !p3, p1;
	s19 =	sand.u32 @!p1 s22, s19;
	s22 =	sshra.s32 @!p1 s18, $0x1F  }
0x27: {  	s21 =	simm.s32 @p3 $0xC7;
	p3 =	sgt.s32 @!p1 s18, $0x380;
	s17 =	simm.s32 @p2 $0xAC  }
0x28: {  	s19 =	ssub.s32 @!p1 s21, s19;
	p3 =	por !p3, p1;
	s21 =	smov.u32 s18  }
0x29: {  	s18 =	sand.u32 @!p1 s22, s18;
	s17 =	ssub.s32 @!p1 s17, s20;
	s21 =	simm.s32 @p3 $0x380  }
0x2a: {  	s20 =	sadd.s32 @!p1 $0xFFFFFF39, s19;
	s19 =	ssub.s32 @!p1 $0xC8, s19;
	s18 =	ssub.s32 @!p1 s21, s18  }
0x2b: {  	s21 =	sadd.s32 @!p1 $0xFFFFFF54, s17;
	p2 =	sgt.s32 @!p1 s20, $0x0;
	s20 =	sadd.s32 @!p1 $0xFFFFFC80, s18  }
0x2c: {  	s17 =	ssub.s32 @!p1 $0x12C, s17;
	p2 =	por !p2, p1;
	p3 =	sgt.s32 @!p1 s20, $0x7F  }
0x2d: {  	s18 =	ssub.s32 @!p1 $0x400, s18;
	s19 =	simm.s32 @!p2 $0x0;
	p2 =	por !p3, p1  }
0x2e: {  	s20 =	sadd.s32 $0x80, s13;
	p3 =	sgt.s32 @!p1 s21, $0x7F;
	s18 =	simm.s32 @!p2 $0x0  }
0x2f: {  	s21 =	smov.u32 s14;
	p2 =	por !p3, p1;
	s18 =	smul.u32 @!p1 s18, s19  }
0x30: {  	s17 =	simm.s32 @!p2 $0x0;
	p2 =	sgt.s32 s20, $0x12B;
	s19 =	sadd.s32 $0x4, s14  }
0x31: {  	s22 =	smov.u32 s15;
	s21 =	smov.u32 @p2 s19  }
0x32: {  	s17 =	smul.u32 @!p1 s17, s18;
	p3 =	sgt.s32 s21, $0xC7;
	s18 =	sadd.s32 $0x400, s15  }
0x33: {  	p0 =	por !p0, !p0;
	s23 =	simm.s32 @!p1 $0x2;
	s22 =	smov.u32 @p3 s18  }
0x34: {  	s20 =	simm.s32 @p2 $0x0;
	s19 =	smov.u32 s11;
	p2 =	sgt.s32 s22, $0x3FF  }
0x35: {  	s11 =	smov.u32 s14;
	s22 =	smov.u32 @p2 s3;
	p2 =	sne.s32 s16, s8  }
.Ltmp1:
0x36: {  	s21 =	smov.u32 @p3 s7;
	s18 =	smov.u32 s12;
	(pc) =	sbr.rel @!p2 .LBB1_6-.Ltmp1, $4  }
0x37: {  	s12 =	smov.u32 s15;
	s17 =	sand.u32 @!p1 $0x3FFFFFFF, s17;
	s14 =	smov.u32 s21  }
0x38: {  	_ =	swait.ge @!p1 [sflag:s23], s17;
	s24 =	ssub.s32 @!p1 $0x0, s17;
	s17 =	smov.u32 s10  }
0x39: {  	s16 =	sadd.s32 $0x1, s16;
	s10 =	smov.u32 s13;
	[sflag:s23] =	ssyncset.done @!p1 $0x0  }
0x3a: {  	s13 =	smov.u32 s20;
	s15 =	smov.u32 s22;
	[sflag:s23] =	ssyncadd.s32 @!p1 s24  }
.LBB1_1:
0x3b: {  	p1 =	sge.u32 s16, s6  }
0x3c: {  	s20 =	sshrl.u32 @!p1 s14, $0x3  }
0x3d: {  	s21 =	sshll.u32 @!p1 s13, $0x3;
	s20 =	smul.u32 @!p1 $0xC00, s20  }
0x3e: {  	s22 =	sshll.u32 @!p1 s14, $0x7;
	s21 =	sand.u32 @!p1 $0xFFFFFC00, s21  }
0x3f: {  	s20 =	sadd.s32 @!p1 s20, s21;
	s21 =	sand.u32 @!p1 $0x380, s22  }
0x40: {  	s20 =	sor.u32 @!p1 s21, s20  }
0x41: {  	s21 =	sand.u32 @!p1 $0x7F, s13;
	s22 =	smulhi.u32 @!p1 $0xAAAAAAAB, s20  }
0x42: {  	s20 =	sor.u32 @!p1 s21, s20  }
0x43: {  	s21 =	smulhi.u32 @!p1 $0xAAAAAAAB, s20;
	s22 =	sshrl.u32 @!p1 s22, $0x8  }
0x44: {  	s23 =	smulhi.u32 @!p1 $0x147AE15, s22;
	_ =	sdelay $0x1  }
0x45: {  	s21 =	sshrl.u32 @!p1 s21, $0x8;
	s23 =	smul.u32 @!p1 $0xC8, s23  }
0x46: {  	s31 =	sadd.s32 $0xFFFFFFFF, s16;
	s21 =	smul.u32 @!p1 $0x180, s21  }
0x47: {  	s24 =	sxor.u32 @!p1 $0xFFFFFFFF, s16;
	s22 =	ssub.s32 @!p1 s22, s23;
	s23 =	smul.u32 @!p1 $0x2580, s15  }
0x48: {  	s24 =	sshll.u32 @!p1 s24, $0xE;
	s20 =	ssub.s32 @!p1 s20, s21;
	s21 =	smul.u32 @!p1 $0x30, s22  }
0x49: {  	s22 =	sand.u32 @!p1 $0x4000, s24;
	s24 =	sand.u32 @!p1 $0x7, s20;
	s23 =	sadd.s32 @!p1 s4, s23  }
0x4a: {  	s20 =	sshrl.u32 @!p1 s20, $0x3;
	s21 =	sadd.s32 @!p1 s21, s23;
	s23 =	sshll.u32 @!p1 s24, $0x12  }
0x4b: {  	s20 =	sadd.s32 @!p1 s20, s21;
	s21 =	sor.u32 @!p1 $0x80, s23;
	s23 =	simm.s32 @!p1 $0x12C00  }
0x4c: {  	[tilespmem:s22], [sflag:$0x1] =	stream.strided.gather @!p1 [hbm4b:s20+s21], $0x4000, s23, s21, $0x38;
	[tilespmem:$0x10100] =	vst v63  }
0x4d: {  	p1 =	sge.u32 s31, s6  }
.Ltmp2:
0x4e: {  	_ = 	snop;
	(pc) =	sbr.rel @p1 .LBB1_5-.Ltmp2, $1  }
0x4f: {  	_ =	sdelay $0x3  }
0x50: {  	s20 =	simm.s32 $0x1  }
0x51: {  	_ =	swait.ge [sflag:s5], $0x4000;
	s20 =	simm.s32 @!p0 $0x0  }
0x52: {  	[sflag:s5] =	ssyncset.done $0x0;
	s21 =	sshll.u32 s20, $0xE  }
0x53: {  	[sflag:s5] =	ssyncadd.s32 $0xFFFFC000;
	s21 =	sor.u32 $0x40, s21  }
0x54: {  	s20 =	smul.u32 $0x10200, s20;
	v0 =	vld [tilespmem:s21+$0x30]  }
0x55: {  	v1 =	vld [tilespmem:s21+$0xFFFFFFD0]  }
0x56: {  	s20 =	sshrl.u32 s20, $0x2;
	v5 =	vld [tilespmem:s21+$0xFFFFFFE0]  }
0x57: {  	v6 =	vld [tilespmem:s21+$0xFFFFFFF0];
	s23 =	sor.u32 $0x8000, s20  }
0x58: {  	s31 =	sand.u32 $0x1, s16;
	v4 =	vld [tilespmem:s21+$0x0];
	s22 =	sadd.s32 $0x0, s23  }
0x59: {  	v3 =	vld [tilespmem:s21+$0x10];
	s20 =	smul.u32 $0x10200, s31;
	[tilespmem:s22+$0x3870 ss:$0x81] =	vst.msk $0xffff, v0  }
0x5a: {  	v2 =	vld [tilespmem:s21+$0x20];
	[tilespmem:s22+$0x810 ss:$0x81] =	vst.msk $0xffff, v1  }
0x5b: {  	s20 =	sshrl.u32 s20, $0x2;
	v1 =	vld [tilespmem:s21+$0xFFFFFFC0];
	[tilespmem:s22+$0x1020 ss:$0x81] =	vst.msk $0xffff, v5;
	s21 =	sadd.s32 $0x80, s21  }
0x5c: {  	s24 =	simm.s32 $0x4;
	s25 =	simm.s32 $0x8;
	s20 =	sor.u32 $0x8000, s20;
	[tilespmem:s22+$0x1830 ss:$0x81] =	vst.msk $0xffff, v6;
	v0 =	vld [tilespmem:s21+$0x30]  }
.LBB1_3:
0x5d: {  	p1 =	sne.s32 s25, $0x1FC;
	v5 =	vld [tilespmem:s21+$0xFFFFFFD0];
	[tilespmem:s22+$0x2040 ss:$0x81] =	vst.msk $0xffff, v4  }
0x5e: {  	v6 =	vld [tilespmem:s21+$0xFFFFFFE0];
	[tilespmem:s22+$0x2850 ss:$0x81] =	vst.msk $0xffff, v3  }
0x5f: {  	s26 =	sshra.s32 s24, $0x2;
	s24 =	smov.u32 s25;
	v7 =	vld [tilespmem:s21+$0xFFFFFFF0];
	[tilespmem:s22+$0x3060 ss:$0x81] =	vst.msk $0xffff, v2  }
.Ltmp3:
0x60: {  	v4 =	vld [tilespmem:s21+$0x0];
	[tilespmem:s22+$0x0 ss:$0x81] =	vst.msk $0xffff, v1;
	s22 =	sadd.s32 s26, s23;
	(pc) =	sbr.rel @p1 .LBB1_3-.Ltmp3, $4  }
0x61: {  	v3 =	vld [tilespmem:s21+$0x10];
	[tilespmem:s22+$0x3870 ss:$0x81] =	vst.msk $0xffff, v0  }
0x62: {  	[tilespmem:s22+$0x810 ss:$0x81] =	vst.msk $0xffff, v5;
	v2 =	vld [tilespmem:s21+$0x20]  }
0x63: {  	v1 =	vld [tilespmem:s21+$0xFFFFFFC0];
	[tilespmem:s22+$0x1020 ss:$0x81] =	vst.msk $0xffff, v6;
	s21 =	sadd.s32 $0x80, s21  }
0x64: {  	s25 =	sadd.s32 $0x4, s25;
	v0 =	vld [tilespmem:s21+$0x30];
	[tilespmem:s22+$0x1830 ss:$0x81] =	vst.msk $0xffff, v7  }
.Ltmp4:
0x65: {  	_ = 	snop;
	(pc) =	sbr.rel .LBB1_4-.Ltmp4, $1  }
0x66: {  	_ =	sdelay $0x3  }
.LBB1_6:
0x67: {  	_ =	sfence.sel $0x180000  }
0x68: {  	s2 =	simm.s32 $0x1;
	[bflag:$0x0] =	sbarrier.arrive $0xFFFF  }
0x69: {  	s31 =	simm.s32 $0x2;
	[sflag:s2] =	ssyncpa.u1 $0x1  }
0x6a: {  	[sflag:s31] =	ssyncpa.u1 $0x1  }
0x6b: {  	p0 =	sne.s32 s0, $0x0;
	_ =	strace $0x9000004D  }
0x6c: {  	s0 =	sadd.s32 @!p0 $0x100000, s1;
	[bflag:$0x2] =	sbarrier.arrive $0xFFFF  }
0x6d: {  	[sflag:s0] =	ssyncadd.tile.s32 @!p0 $0x1;
	_ =	shalt  }
.Lfunc_end1:
_tile_overlayer_lowered:
.L_overlay_start_2:
0x6e: {  	(tag) =	ssettag $0x2  }
0x6f: {  	s0 =	rddreg [dreg:$0x0];
	s2 =	stileid.u32  }
0x70: {  	s1 =	rddreg [dreg:$0x1];
	p0 =	sne.s32 s2, $0x0  }
0x71: {  	s3 =	rddreg [dreg:$0x2];
	[bflag:$0x3] =	sbarrier.arrive $0xFFFF;
	s2 =	simm.s32 @!p0 $0x1C01  }
0x72: {  	[timem:s3], [sflag:s2] =	dma.local @!p0 [hbm:s0], s1  }
0x73: {  	s0 =	simm.s32 @!p0 $0x1  }
0x74: {  	_ =	swait.ge @!p0 [sflag:s0], s1  }
0x75: {  	s1 =	ssub.s32 @!p0 $0x0, s1;
	[sflag:s0] =	ssyncset.done @!p0 $0x0  }
0x76: {  	[sflag:s0] =	ssyncadd.s32 @!p0 s1  }
0x77: {  	[bflag:$0x3] =	sbarrier.arrive $0xFFFF  }
0x78: {  	_ =	shalt  }

</sc_bundles>
